<compile_context>
chip_gen: v7x
topology: tpu7x:2x2x1
jax: 0.10.2.dev20260603
libtpu: 0.0.44.dev20260713+nightly
codegen_flags: <defaults>
</compile_context>

<pallas_src>
import functools

import jax
import jax.numpy as jnp
import numpy as np
from jax import lax
from jax.experimental import pallas as pl
from jax.experimental.pallas import tpu as pltpu
from jax.experimental.pallas import tpu_sc as plsc

_B = 4
_N = 8192
_D = 13
_S = 512
_NS = 32
_RSQ = np.float32(0.2 * 0.2)
_SC = 2 * _S
_RB = 128
_TOT = _B * _SC * _NS
_NW = 32
_BPW = _TOT // _NW
_CH = 128


def _fps_body(xyz_ref, att_ref, ox_ref, oy_ref, oz_ref, oa_ref):
    X = xyz_ref[:, 0, :]
    Y = xyz_ref[:, 1, :]
    Z = xyz_ref[:, 2, :]
    A = att_ref[:, 0, :]
    one = jnp.float32(1.0)
    Xall = jnp.concatenate([A * X, (one - A) * X], axis=0)
    Yall = jnp.concatenate([A * Y, (one - A) * Y], axis=0)
    Zall = jnp.concatenate([A * Z, (one - A) * Z], axis=0)
    Aall = jnp.concatenate([A, A], axis=0)

    iota_p = lax.broadcasted_iota(jnp.int32, (8, _N), 1)
    iota_s = lax.broadcasted_iota(jnp.int32, (8, _S), 1)

    lX = Xall[:, 0:1]
    lY = Yall[:, 0:1]
    lZ = Zall[:, 0:1]
    zero = jnp.zeros((8, _S), jnp.float32)
    sel0 = iota_s == 0
    aX = jnp.where(sel0, lX, zero)
    aY = jnp.where(sel0, lY, zero)
    aZ = jnp.where(sel0, lZ, zero)
    aA = jnp.where(sel0, Aall[:, 0:1], zero)
    dists = jnp.full((8, _N), jnp.inf, jnp.float32)

    def step(t, carry):
        dists, lX, lY, lZ, aX, aY, aZ, aA = carry
        dx = Xall - lX
        dy = Yall - lY
        dz = Zall - lZ
        dd = (dx * dx + dy * dy) + dz * dz
        dists = jnp.minimum(dists, dd)
        m = jnp.max(dists, axis=1, keepdims=True)
        nxt = jnp.min(
            jnp.where(dists == m, iota_p, jnp.int32(_N)),
            axis=1, keepdims=True)
        oh = iota_p == nxt
        lX = jnp.sum(jnp.where(oh, Xall, 0.0), axis=1, keepdims=True)
        lY = jnp.sum(jnp.where(oh, Yall, 0.0), axis=1, keepdims=True)
        lZ = jnp.sum(jnp.where(oh, Zall, 0.0), axis=1, keepdims=True)
        lA = jnp.sum(jnp.where(oh, Aall, 0.0), axis=1, keepdims=True)
        sel = iota_s == t
        aX = jnp.where(sel, lX, aX)
        aY = jnp.where(sel, lY, aY)
        aZ = jnp.where(sel, lZ, aZ)
        aA = jnp.where(sel, lA, aA)
        return (dists, lX, lY, lZ, aX, aY, aZ, aA)

    carry = lax.fori_loop(1, _S, step, (dists, lX, lY, lZ, aX, aY, aZ, aA))
    ox_ref[:, :] = carry[4]
    oy_ref[:, :] = carry[5]
    oz_ref[:, :] = carry[6]
    oa_ref[:, :] = carry[7]


def _bq_body(xyz_ref, c_ref, idx_ref):
    b = pl.program_id(0)
    xr = xyz_ref[0, 0:1, :]
    yr = xyz_ref[0, 1:2, :]
    zr = xyz_ref[0, 2:3, :]
    cx = c_ref[0, :, 0:1]
    cy = c_ref[0, :, 1:2]
    cz = c_ref[0, :, 2:3]
    dx = cx - xr
    dy = cy - yr
    dz = cz - zr
    dd = (dx * dx + dy * dy) + dz * dz
    C = jnp.where(dd <= _RSQ, 1, 0)
    n = 1
    while n < _N:
        C = C + jnp.concatenate(
            [jnp.zeros((_RB, n), jnp.int32), C[:, :_N - n]], axis=1)
        n *= 2
    cols = [None] * _NS
    for t in range(_NS // 2):
        j0, j1 = 2 * t, 2 * t + 1
        a = jnp.where(C <= j0, 16385, jnp.where(C <= j1, 16384, 0))
        s = jnp.sum(a, axis=1, keepdims=True)
        cols[j0] = jnp.bitwise_and(s, 16383)
        cols[j1] = jnp.right_shift(s, 14)
    S = jnp.concatenate(cols, axis=1)
    S0 = S[:, 0:1]
    fill = jnp.where(S0 < _N, S0, 0)
    idx = jnp.where(S < _N, S, fill)
    idx_ref[0, :, :] = idx + b * _N


def _gather_body(table_hbm, idx_hbm, out_hbm, idx_v, rows_v, sem):
    c = lax.axis_index("c")
    s = lax.axis_index("s")
    wid = s * 2 + c
    nrows = _BPW // _CH
    pltpu.sync_copy(idx_hbm.at[pl.ds(wid * nrows, nrows)], idx_v)

    def chunk(i, carry):
        pltpu.async_copy(
            table_hbm.at[idx_v.at[i]], rows_v.at[pl.ds(i * _CH, _CH)], sem)
        return carry

    lax.fori_loop(0, nrows, chunk, 0)
    pltpu.make_async_copy(table_hbm.at[pl.ds(0, _BPW)], rows_v, sem).wait()
    pltpu.sync_copy(rows_v, out_hbm.at[pl.ds(wid * _BPW, _BPW)])


def _mlp_body(g_ref, c_ref, w0_ref, b0_ref, w1_ref, b1_ref, w2_ref, b2_ref,
              o_ref):
    g = g_ref[0]
    c3 = c_ref[0]
    g3 = g.reshape(_RB, _NS, 16)
    xyzp = g3[:, :, 0:3] - c3[:, None, :]
    x0 = jnp.concatenate([xyzp, g3[:, :, 3:]], axis=2).reshape(_RB * _NS, 16)
    h = x0
    for wr, br in ((w0_ref, b0_ref), (w1_ref, b1_ref), (w2_ref, b2_ref)):
        W = wr[...]
        bb = br[...]
        h = lax.dot_general(
            h, W, (((1,), (1,)), ((), ())),
            preferred_element_type=jnp.float32)
        h = jnp.maximum(h + bb, 0.0)
    hp = h.reshape(_RB, _NS, 64)
    o_ref[0] = jnp.max(hp, axis=1)


def _fps_call(xyz, attention):
    out = [jax.ShapeDtypeStruct((8, _S), jnp.float32)] * 4
    return pl.pallas_call(_fps_body, out_shape=out)(xyz, attention)


def _bq_call(xyz, cxyz):
    return pl.pallas_call(
        _bq_body,
        grid=(_B, _SC // _RB),
        in_specs=[
            pl.BlockSpec((1, 3, _N), lambda b, r: (b, 0, 0)),
            pl.BlockSpec((1, _RB, 3), lambda b, r: (b, r, 0)),
        ],
        out_specs=pl.BlockSpec((1, _RB, _NS), lambda b, r: (b, r, 0)),
        out_shape=jax.ShapeDtypeStruct((_B, _SC, _NS), jnp.int32),
    )(xyz, cxyz)


def _gather_call(table, idx2d):
    mesh = plsc.VectorSubcoreMesh(core_axis_name="c", subcore_axis_name="s")
    fn = functools.partial(
        pl.kernel,
        mesh=mesh,
        out_type=jax.ShapeDtypeStruct((_TOT, 16), jnp.float32),
        scratch_types=[
            pltpu.VMEM((_BPW // _CH, _CH), jnp.int32),
            pltpu.VMEM((_BPW, 16), jnp.float32),
            pltpu.SemaphoreType.DMA,
        ],
        compiler_params=pltpu.CompilerParams(use_tc_tiling_on_sc=False),
    )(_gather_body)
    return fn(table, idx2d)


def _mlp_call(grouped, cxyz, W0, b0, W1, b1, W2, b2):
    full = lambda shape: pl.BlockSpec(shape, lambda b, r: tuple(0 for _ in shape))
    return pl.pallas_call(
        _mlp_body,
        grid=(_B, _SC // _RB),
        in_specs=[
            pl.BlockSpec((1, _RB * _NS, 16), lambda b, r: (b, r, 0)),
            pl.BlockSpec((1, _RB, 3), lambda b, r: (b, r, 0)),
            full((32, 16)), full((1, 32)),
            full((32, 32)), full((1, 32)),
            full((64, 32)), full((1, 64)),
        ],
        out_specs=pl.BlockSpec((1, _RB, 64), lambda b, r: (b, r, 0)),
        out_shape=jax.ShapeDtypeStruct((_B, _SC, 64), jnp.float32),
    )(grouped, cxyz, W0, b0, W1, b1, W2, b2)


def kernel(xyz, points, attention, W0, b0, W1, b1, W2, b2):
    ox, oy, oz, oa = _fps_call(xyz, attention)
    nx = jnp.concatenate([ox[:4], ox[4:]], axis=1)
    ny = jnp.concatenate([oy[:4], oy[4:]], axis=1)
    nz = jnp.concatenate([oz[:4], oz[4:]], axis=1)
    na = jnp.concatenate([oa[:4], oa[4:]], axis=1)
    new_xyz_out = jnp.stack([nx, ny, nz], axis=1)
    new_att_out = na[:, None, :]
    cxyz = jnp.stack([nx, ny, nz], axis=-1)

    idx = _bq_call(xyz, cxyz)

    xyz_t = jnp.transpose(xyz, (0, 2, 1))
    pts_t = jnp.transpose(points, (0, 2, 1))
    table = jnp.concatenate([xyz_t, pts_t], axis=-1).reshape(_B * _N, 16)
    idx2d = idx.reshape(_TOT // _CH, _CH)
    grouped = _gather_call(table, idx2d)
    grouped = grouped.reshape(_B, _SC * _NS, 16)

    pooled = _mlp_call(grouped, cxyz, W0, b0.reshape(1, 32),
                       W1, b1.reshape(1, 32), W2, b2.reshape(1, 64))
    return (new_xyz_out, jnp.transpose(pooled, (0, 2, 1)), new_att_out)

# --- scband reference (transcript-rebuilt; emitter-appended) ---
"""Pipeline reference for scband-point-net-set-abstraction-attn-49237505082100 (READ-ONLY COPY).

The authoritative reference and input builder live on the scoring server;
editing this copy changes nothing except your own understanding.
"""

import jax, jax.numpy as jnp
import numpy as np

B, N, D = 4, 8192, 13
S_ATTN, S_NONE, NSAMPLE = 512, 512, 32
RADIUS = 0.2
MLP = [32, 32, 64]
IN_CH = 3 + D


def fps(pts, K):
    Np = pts.shape[0]
    dists0 = jnp.full((Np,), jnp.inf, dtype=pts.dtype)

    def step(carry, _):
        dists, last_idx = carry
        last = pts[last_idx]
        dd = jnp.sum((pts - last) ** 2, axis=-1)
        dists = jnp.minimum(dists, dd)
        nxt = jnp.argmax(dists).astype(jnp.int32)
        return (dists, nxt), nxt

    (_, _), rest = jax.lax.scan(step, (dists0, jnp.int32(0)), None, length=K - 1)
    idxs = jnp.concatenate([jnp.zeros((1,), jnp.int32), rest])
    return pts[idxs], idxs


def ball_query_one(new_xyz, xyz, K, radius):
    Np = xyz.shape[0]
    sqr = jnp.sum((new_xyz[:, None, :] - xyz[None, :, :]) ** 2, axis=-1)
    gidx = jnp.where(sqr <= radius * radius, jnp.arange(Np, dtype=jnp.int32)[None, :], jnp.int32(Np))
    vals, _ = jax.lax.top_k(-gidx, K)
    idx = -vals
    first = idx[:, :1]
    idx = jnp.where(idx == Np, first, idx)
    idx = jnp.where(idx == Np, 0, idx)
    return idx


def setup_inputs(seed: int = 0):
    key = jax.random.key(seed)
    ks = jax.random.split(key, 10)
    xyz = jax.random.normal(ks[0], (B, 3, N), dtype=jnp.float32)
    points = jax.random.normal(ks[1], (B, D, N), dtype=jnp.float32)
    attention = jnp.round(jax.random.uniform(ks[2], (B, 1, N), dtype=jnp.float32))
    Ws, bs = [], []
    last = IN_CH
    for i, out in enumerate(MLP):
        Ws.append(jax.random.normal(ks[3 + i], (out, last), dtype=jnp.float32) * (1.0 / np.sqrt(last)))
        bs.append(jnp.zeros((out,), dtype=jnp.float32))
        last = out
    return {"xyz": xyz, "points": points, "attention": attention,
            "W0": Ws[0], "b0": bs[0], "W1": Ws[1], "b1": bs[1], "W2": Ws[2], "b2": bs[2]}


def reference(xyz, points, attention, W0, b0, W1, b1, W2, b2):
    xyz_t = jnp.transpose(xyz, (0, 2, 1))
    pts_t = jnp.transpose(points, (0, 2, 1))
    attn_t = jnp.transpose(attention, (0, 2, 1))
    attn_xyz = attn_t * xyz_t
    none_xyz = (1.0 - attn_t) * xyz_t
    new_attn_xyz, fps_attn_idx = jax.vmap(lambda p: fps(p, S_ATTN))(attn_xyz)
    new_none_xyz, fps_none_idx = jax.vmap(lambda p: fps(p, S_NONE))(none_xyz)
    new_xyz = jnp.concatenate([new_attn_xyz, new_none_xyz], axis=-2)
    fps_idx = jnp.concatenate([fps_attn_idx, fps_none_idx], axis=-1)
    new_attention = jax.vmap(lambda a, i: a[i])(attn_t, fps_idx)
    idx = jax.vmap(lambda nq, x: ball_query_one(nq, x, NSAMPLE, RADIUS))(new_xyz, xyz_t)
    grouped_xyz = jax.vmap(lambda x, i: x[i])(xyz_t, idx)
    grouped_xyz_norm = grouped_xyz - new_xyz[:, :, None, :]
    grouped_points = jax.vmap(lambda p, i: p[i])(pts_t, idx)
    new_points = jnp.concatenate([grouped_xyz_norm, grouped_points], axis=-1)
    h = jnp.transpose(new_points, (0, 3, 2, 1))
    for W, b in ((W0, b0), (W1, b1), (W2, b2)):
        h = jax.nn.relu(jnp.einsum("oc,bcks->boks", W, h) + b[None, :, None, None])
    pooled = jnp.max(h, axis=2)
    return (jnp.transpose(new_xyz, (0, 2, 1)), pooled, jnp.transpose(new_attention, (0, 2, 1)))

if __name__ == "__main__":
    import jax
    _d = setup_inputs()
    print(jax.jit(kernel)(*tuple(_d.values())))

</pallas_src>

<mosaic_0001>
#map = affine_map<(d0, d1) -> (0, 0)>
module attributes {stable_mosaic.version = 14 : i64} {
  func.func @_gather_body(%arg0: i32, %arg1: i32, %arg2: memref<32768x16xf32, #tpu.memory_space<hbm>>, %arg3: memref<1024x128xi32, #tpu.memory_space<hbm>>, %arg4: memref<131072x16xf32, #tpu.memory_space<hbm>>, %arg5: memref<32x128xi32, #tpu.memory_space<vmem>>, %arg6: memref<4096x16xf32, #tpu.memory_space<vmem>>, %arg7: memref<!tpu.dma_semaphore, #tpu.memory_space<semaphore_mem>>) attributes {dimension_semantics = [#tpu.dimension_semantics<core_parallel>, #tpu.dimension_semantics<subcore_parallel>], iteration_bounds = array<i64: 2, 16>, scalar_prefetch = 0 : i64, scratch_operands = 3 : i64, tpu.core_type = #tpu.core_type<sc_vector_subcore>, window_params = [{transform_indices = #map}, {transform_indices = #map}, {transform_indices = #map}]} {
    %mul3A = arith.constant 2 : i32
    %mul3A_0 = arith.muli %arg1, %mul3A : i32
    %add3A = arith.addi %mul3A_0, %arg0 : i32
    %mul3A_1 = arith.constant 32 : i32
    %mul3A_2 = arith.muli %add3A, %mul3A_1 : i32
    "tpu.region"() ({
      %run_scoped3A = tpu.sem_alloc : memref<!tpu.dma_semaphore, #tpu.memory_space<semaphore_mem>>
      %dma_start3A = arith.constant 0 : i32
      %dma_start3A_15 = tpu.memref_slice %arg3[%mul3A_2, %dma_start3A] : memref<1024x128xi32, #tpu.memory_space<hbm>> -> memref<32x128xi32, #tpu.memory_space<hbm>>
      %dma_start3A_16 = arith.constant 0 : i32
      %dma_start3A_17 = tpu.memref_slice %arg3[%mul3A_2, %dma_start3A_16] : memref<1024x128xi32, #tpu.memory_space<hbm>> -> memref<32x128xi32, #tpu.memory_space<hbm>>
      tpu.enqueue_dma source(%dma_start3A_17 : memref<32x128xi32, #tpu.memory_space<hbm>>) target(%arg5 : memref<32x128xi32, #tpu.memory_space<vmem>>) target_semaphore(%run_scoped3A : memref<!tpu.dma_semaphore, #tpu.memory_space<semaphore_mem>>)
      %dma_wait3A_18 = arith.constant 0 : i32
      %dma_wait3A_19 = tpu.memref_slice %arg3[%mul3A_2, %dma_wait3A_18] : memref<1024x128xi32, #tpu.memory_space<hbm>> -> memref<32x128xi32, #tpu.memory_space<hbm>>
      %dma_wait3A_20 = arith.constant 0 : i32
      %dma_wait3A_21 = tpu.memref_slice %arg3[%mul3A_2, %dma_wait3A_20] : memref<1024x128xi32, #tpu.memory_space<hbm>> -> memref<32x128xi32, #tpu.memory_space<hbm>>
      tpu.wait_dma2 semaphore(%run_scoped3A : memref<!tpu.dma_semaphore, #tpu.memory_space<semaphore_mem>>) src(%dma_wait3A_21 : memref<32x128xi32, #tpu.memory_space<hbm>>) dst(%arg5 : memref<32x128xi32, #tpu.memory_space<vmem>>)
      tpu.yield
    }) : () -> ()
    %scan3A = arith.constant 0 : i32
    %scan3A_3 = arith.constant 0 : i32
    %scan3A_4 = arith.constant 32 : i32
    %scan3A_5 = arith.addi %scan3A_3, %scan3A_4 : i32
    %scan3A_6 = arith.constant 1 : i32
    scf.for %scan3A_15 = %scan3A_3 to %scan3A_5 step %scan3A_6  : i32 {
      %mul3A_16 = arith.constant 128 : i32
      %mul3A_17 = arith.muli %scan3A_15, %mul3A_16 : i32
      %dma_start3A = arith.constant 0 : i32
      %dma_start3A_18 = tpu.memref_slice %arg6[%mul3A_17, %dma_start3A] : memref<4096x16xf32, #tpu.memory_space<vmem>> -> memref<128x16xf32, #tpu.memory_space<vmem>>
      %dma_start3A_19 = arith.constant 0 : i32
      %dma_start3A_20 = tpu.memref_slice %arg5[%scan3A_15, %dma_start3A_19] : memref<32x128xi32, #tpu.memory_space<vmem>> -> memref<1x128xi32, #tpu.memory_space<vmem>>
      %dma_start3A_21 = tpu.memref_squeeze %dma_start3A_20 : memref<1x128xi32, #tpu.memory_space<vmem>> -> memref<128xi32, #tpu.memory_space<vmem>>
      %dma_start3A_22 = arith.constant 0 : i32
      %dma_start3A_23 = arith.constant 0 : i32
      %dma_start3A_24 = tpu.memref_slice %arg2[%dma_start3A_22, %dma_start3A_23] : memref<32768x16xf32, #tpu.memory_space<hbm>> -> memref<32768x16xf32, #tpu.memory_space<hbm>>
      tpu.enqueue_indirect_dma source(%dma_start3A_24 : memref<32768x16xf32, #tpu.memory_space<hbm>>) target(%dma_start3A_18 : memref<128x16xf32, #tpu.memory_space<vmem>>) offsets(%dma_start3A_21 : memref<128xi32, #tpu.memory_space<vmem>>) semaphore(%arg7 : memref<!tpu.dma_semaphore, #tpu.memory_space<semaphore_mem>>)
    }
    %scan3A_7 = arith.constant 32 : i32
    %dma_wait3A = arith.constant 0 : i32
    %dma_wait3A_8 = arith.constant 0 : i32
    %dma_wait3A_9 = tpu.memref_slice %arg2[%dma_wait3A, %dma_wait3A_8] : memref<32768x16xf32, #tpu.memory_space<hbm>> -> memref<4096x16xf32, #tpu.memory_space<hbm>>
    %dma_wait3A_10 = arith.constant 0 : i32
    %dma_wait3A_11 = arith.constant 0 : i32
    %dma_wait3A_12 = tpu.memref_slice %arg2[%dma_wait3A_10, %dma_wait3A_11] : memref<32768x16xf32, #tpu.memory_space<hbm>> -> memref<4096x16xf32, #tpu.memory_space<hbm>>
    tpu.wait_dma2 semaphore(%arg7 : memref<!tpu.dma_semaphore, #tpu.memory_space<semaphore_mem>>) src(%dma_wait3A_12 : memref<4096x16xf32, #tpu.memory_space<hbm>>) dst(%arg6 : memref<4096x16xf32, #tpu.memory_space<vmem>>)
    %mul3A_13 = arith.constant 4096 : i32
    %mul3A_14 = arith.muli %add3A, %mul3A_13 : i32
    "tpu.region"() ({
      %run_scoped3A = tpu.sem_alloc : memref<!tpu.dma_semaphore, #tpu.memory_space<semaphore_mem>>
      %dma_start3A = arith.constant 0 : i32
      %dma_start3A_15 = tpu.memref_slice %arg4[%mul3A_14, %dma_start3A] : memref<131072x16xf32, #tpu.memory_space<hbm>> -> memref<4096x16xf32, #tpu.memory_space<hbm>>
      %dma_start3A_16 = arith.constant 0 : i32
      %dma_start3A_17 = tpu.memref_slice %arg4[%mul3A_14, %dma_start3A_16] : memref<131072x16xf32, #tpu.memory_space<hbm>> -> memref<4096x16xf32, #tpu.memory_space<hbm>>
      tpu.enqueue_dma source(%arg6 : memref<4096x16xf32, #tpu.memory_space<vmem>>) target(%dma_start3A_17 : memref<4096x16xf32, #tpu.memory_space<hbm>>) target_semaphore(%run_scoped3A : memref<!tpu.dma_semaphore, #tpu.memory_space<semaphore_mem>>)
      %dma_wait3A_18 = arith.constant 0 : i32
      %dma_wait3A_19 = tpu.memref_slice %arg4[%mul3A_14, %dma_wait3A_18] : memref<131072x16xf32, #tpu.memory_space<hbm>> -> memref<4096x16xf32, #tpu.memory_space<hbm>>
      %dma_wait3A_20 = arith.constant 0 : i32
      %dma_wait3A_21 = tpu.memref_slice %arg4[%mul3A_14, %dma_wait3A_20] : memref<131072x16xf32, #tpu.memory_space<hbm>> -> memref<4096x16xf32, #tpu.memory_space<hbm>>
      tpu.wait_dma2 semaphore(%run_scoped3A : memref<!tpu.dma_semaphore, #tpu.memory_space<semaphore_mem>>) src(%arg6 : memref<4096x16xf32, #tpu.memory_space<vmem>>) dst(%dma_wait3A_21 : memref<4096x16xf32, #tpu.memory_space<hbm>>)
      tpu.yield
    }) : () -> ()
    return
  }
}

module attributes {stable_mosaic.version = 14 : i64} {
  func.func @_fps_body(%arg0: memref<4x3x8192xf32, #tpu.memory_space<vmem>>, %arg1: memref<4x1x8192xf32, #tpu.memory_space<vmem>>, %arg2: memref<8x512xf32, #tpu.memory_space<vmem>>, %arg3: memref<8x512xf32, #tpu.memory_space<vmem>>, %arg4: memref<8x512xf32, #tpu.memory_space<vmem>>, %arg5: memref<8x512xf32, #tpu.memory_space<vmem>>) attributes {dimension_semantics = [], scalar_prefetch = 0 : i64, scratch_operands = 0 : i64, tpu.core_type = #tpu.core_type<tc>} {
    %get3A = arith.constant 0 : index
    %get3A_0 = arith.constant 0 : index
    %get3A_1 = arith.constant 0 : index
    %get3A_2 = vector.load %arg0[%get3A, %get3A_0, %get3A_1] : memref<4x3x8192xf32, #tpu.memory_space<vmem>>, vector<4x1x8192xf32>
    %get3A_3 = vector.shape_cast %get3A_2 : vector<4x1x8192xf32> to vector<4x8192xf32>
    %get3A_4 = arith.constant 0 : index
    %get3A_5 = arith.constant 1 : index
    %get3A_6 = arith.constant 0 : index
    %get3A_7 = vector.load %arg0[%get3A_4, %get3A_5, %get3A_6] : memref<4x3x8192xf32, #tpu.memory_space<vmem>>, vector<4x1x8192xf32>
    %get3A_8 = vector.shape_cast %get3A_7 : vector<4x1x8192xf32> to vector<4x8192xf32>
    %get3A_9 = arith.constant 0 : index
    %get3A_10 = arith.constant 2 : index
    %get3A_11 = arith.constant 0 : index
    %get3A_12 = vector.load %arg0[%get3A_9, %get3A_10, %get3A_11] : memref<4x3x8192xf32, #tpu.memory_space<vmem>>, vector<4x1x8192xf32>
    %get3A_13 = vector.shape_cast %get3A_12 : vector<4x1x8192xf32> to vector<4x8192xf32>
    %get3A_14 = arith.constant 0 : index
    %get3A_15 = arith.constant 0 : index
    %get3A_16 = arith.constant 0 : index
    %get3A_17 = vector.load %arg1[%get3A_14, %get3A_15, %get3A_16] : memref<4x1x8192xf32, #tpu.memory_space<vmem>>, vector<4x1x8192xf32>
    %get3A_18 = vector.shape_cast %get3A_17 : vector<4x1x8192xf32> to vector<4x8192xf32>
    %mul3A = arith.mulf %get3A_18, %get3A_3 : vector<4x8192xf32>
    %sub3A = arith.constant 1.000000e+00 : f32
    %sub3A_19 = vector.broadcast %sub3A : f32 to vector<4x8192xf32>
    %sub3A_20 = arith.subf %sub3A_19, %get3A_18 : vector<4x8192xf32>
    %mul3A_21 = arith.mulf %sub3A_20, %get3A_3 : vector<4x8192xf32>
    %concatenate3A = tpu.concatenate %mul3A, %mul3A_21 in 0 : vector<4x8192xf32>, vector<4x8192xf32> -> vector<8x8192xf32>
    %mul3A_22 = arith.mulf %get3A_18, %get3A_8 : vector<4x8192xf32>
    %sub3A_23 = arith.constant 1.000000e+00 : f32
    %sub3A_24 = vector.broadcast %sub3A_23 : f32 to vector<4x8192xf32>
    %sub3A_25 = arith.subf %sub3A_24, %get3A_18 : vector<4x8192xf32>
    %mul3A_26 = arith.mulf %sub3A_25, %get3A_8 : vector<4x8192xf32>
    %concatenate3A_27 = tpu.concatenate %mul3A_22, %mul3A_26 in 0 : vector<4x8192xf32>, vector<4x8192xf32> -> vector<8x8192xf32>
    %mul3A_28 = arith.mulf %get3A_18, %get3A_13 : vector<4x8192xf32>
    %sub3A_29 = arith.constant 1.000000e+00 : f32
    %sub3A_30 = vector.broadcast %sub3A_29 : f32 to vector<4x8192xf32>
    %sub3A_31 = arith.subf %sub3A_30, %get3A_18 : vector<4x8192xf32>
    %mul3A_32 = arith.mulf %sub3A_31, %get3A_13 : vector<4x8192xf32>
    %concatenate3A_33 = tpu.concatenate %mul3A_28, %mul3A_32 in 0 : vector<4x8192xf32>, vector<4x8192xf32> -> vector<8x8192xf32>
    %concatenate3A_34 = tpu.concatenate %get3A_18, %get3A_18 in 0 : vector<4x8192xf32>, vector<4x8192xf32> -> vector<8x8192xf32>
    %iota3A = tpu.iota {dimensions = array<i32: 1>} : vector<8x8192xi32>
    %iota3A_35 = tpu.iota {dimensions = array<i32: 1>} : vector<8x512xi32>
    %slice3A = vector.extract_strided_slice %concatenate3A {offsets = [0, 0], sizes = [8, 1], strides = [1, 1]} : vector<8x8192xf32> to vector<8x1xf32>
    %slice3A_36 = vector.extract_strided_slice %concatenate3A_27 {offsets = [0, 0], sizes = [8, 1], strides = [1, 1]} : vector<8x8192xf32> to vector<8x1xf32>
    %slice3A_37 = vector.extract_strided_slice %concatenate3A_33 {offsets = [0, 0], sizes = [8, 1], strides = [1, 1]} : vector<8x8192xf32> to vector<8x1xf32>
    %broadcast_in_dim3A = arith.constant 0.000000e+00 : f32
    %broadcast_in_dim3A_38 = vector.broadcast %broadcast_in_dim3A : f32 to vector<8x512xf32>
    %eq3A = arith.constant 0 : i32
    %eq3A_39 = vector.broadcast %eq3A : i32 to vector<8x512xi32>
    %eq3A_40 = arith.cmpi eq, %iota3A_35, %eq3A_39 : vector<8x512xi32>
    %broadcast_in_dim3A_41 = vector.shape_cast %slice3A : vector<8x1xf32> to vector<8x1xf32>
    %broadcast_in_dim3A_42 = vector.broadcast %broadcast_in_dim3A_41 : vector<8x1xf32> to vector<8x512xf32>
    %select_n3A = arith.select %eq3A_40, %broadcast_in_dim3A_42, %broadcast_in_dim3A_38 : vector<8x512xi1>, vector<8x512xf32>
    %broadcast_in_dim3A_43 = vector.shape_cast %slice3A_36 : vector<8x1xf32> to vector<8x1xf32>
    %broadcast_in_dim3A_44 = vector.broadcast %broadcast_in_dim3A_43 : vector<8x1xf32> to vector<8x512xf32>
    %select_n3A_45 = arith.select %eq3A_40, %broadcast_in_dim3A_44, %broadcast_in_dim3A_38 : vector<8x512xi1>, vector<8x512xf32>
    %broadcast_in_dim3A_46 = vector.shape_cast %slice3A_37 : vector<8x1xf32> to vector<8x1xf32>
    %broadcast_in_dim3A_47 = vector.broadcast %broadcast_in_dim3A_46 : vector<8x1xf32> to vector<8x512xf32>
    %select_n3A_48 = arith.select %eq3A_40, %broadcast_in_dim3A_47, %broadcast_in_dim3A_38 : vector<8x512xi1>, vector<8x512xf32>
    %slice3A_49 = vector.extract_strided_slice %concatenate3A_34 {offsets = [0, 0], sizes = [8, 1], strides = [1, 1]} : vector<8x8192xf32> to vector<8x1xf32>
    %broadcast_in_dim3A_50 = vector.shape_cast %slice3A_49 : vector<8x1xf32> to vector<8x1xf32>
    %broadcast_in_dim3A_51 = vector.broadcast %broadcast_in_dim3A_50 : vector<8x1xf32> to vector<8x512xf32>
    %select_n3A_52 = arith.select %eq3A_40, %broadcast_in_dim3A_51, %broadcast_in_dim3A_38 : vector<8x512xi1>, vector<8x512xf32>
    %broadcast_in_dim3A_53 = arith.constant 0x7F800000 : f32
    %broadcast_in_dim3A_54 = vector.broadcast %broadcast_in_dim3A_53 : f32 to vector<8x8192xf32>
    %scan3A = arith.constant 1 : i32
    %scan3A_55 = arith.constant 511 : i32
    %scan3A_56 = arith.addi %scan3A, %scan3A_55 : i32
    %scan3A_57 = arith.constant 1 : i32
    %scan3A_58:8 = scf.for %scan3A_71 = %scan3A to %scan3A_56 step %scan3A_57 iter_args(%scan3A_72 = %broadcast_in_dim3A_54, %scan3A_73 = %slice3A, %scan3A_74 = %slice3A_36, %scan3A_75 = %slice3A_37, %scan3A_76 = %select_n3A, %scan3A_77 = %select_n3A_45, %scan3A_78 = %select_n3A_48, %scan3A_79 = %select_n3A_52) -> (vector<8x8192xf32>, vector<8x1xf32>, vector<8x1xf32>, vector<8x1xf32>, vector<8x512xf32>, vector<8x512xf32>, vector<8x512xf32>, vector<8x512xf32>)  : i32 {
      %sub3A_80 = vector.broadcast %scan3A_73 : vector<8x1xf32> to vector<8x8192xf32>
      %sub3A_81 = arith.subf %concatenate3A, %sub3A_80 : vector<8x8192xf32>
      %sub3A_82 = vector.broadcast %scan3A_74 : vector<8x1xf32> to vector<8x8192xf32>
      %sub3A_83 = arith.subf %concatenate3A_27, %sub3A_82 : vector<8x8192xf32>
      %sub3A_84 = vector.broadcast %scan3A_75 : vector<8x1xf32> to vector<8x8192xf32>
      %sub3A_85 = arith.subf %concatenate3A_33, %sub3A_84 : vector<8x8192xf32>
      %mul3A_86 = arith.mulf %sub3A_81, %sub3A_81 : vector<8x8192xf32>
      %mul3A_87 = arith.mulf %sub3A_83, %sub3A_83 : vector<8x8192xf32>
      %add3A = arith.addf %mul3A_86, %mul3A_87 : vector<8x8192xf32>
      %mul3A_88 = arith.mulf %sub3A_85, %sub3A_85 : vector<8x8192xf32>
      %add3A_89 = arith.addf %add3A, %mul3A_88 : vector<8x8192xf32>
      %min3A = arith.minimumf %scan3A_72, %add3A_89 : vector<8x8192xf32>
      %reduce_max3A = arith.constant dense<0xFF800000> : vector<8xf32>
      %reduce_max3A_90 = vector.multi_reduction <maximumf>, %min3A, %reduce_max3A [1] : vector<8x8192xf32> to vector<8xf32>
      %broadcast_in_dim3A_91 = vector.shape_cast %reduce_max3A_90 : vector<8xf32> to vector<8x1xf32>
      %eq3A_92 = vector.broadcast %broadcast_in_dim3A_91 : vector<8x1xf32> to vector<8x8192xf32>
      %eq3A_93 = arith.cmpf oeq, %min3A, %eq3A_92 : vector<8x8192xf32>
      %jit3A = arith.constant 8192 : i32
      %broadcast_in_dim3A_94 = vector.broadcast %jit3A : i32 to vector<8x8192xi32>
      %select_n3A_95 = arith.select %eq3A_93, %iota3A, %broadcast_in_dim3A_94 : vector<8x8192xi1>, vector<8x8192xi32>
      %reduce_min3A = arith.constant dense<2147483647> : vector<8xi32>
      %reduce_min3A_96 = vector.multi_reduction <minsi>, %select_n3A_95, %reduce_min3A [1] : vector<8x8192xi32> to vector<8xi32>
      %broadcast_in_dim3A_97 = vector.shape_cast %reduce_min3A_96 : vector<8xi32> to vector<8x1xi32>
      %eq3A_98 = vector.broadcast %broadcast_in_dim3A_97 : vector<8x1xi32> to vector<8x8192xi32>
      %eq3A_99 = arith.cmpi eq, %iota3A, %eq3A_98 : vector<8x8192xi32>
      %jit3A_100 = arith.constant 0.000000e+00 : f32
      %broadcast_in_dim3A_101 = vector.broadcast %jit3A_100 : f32 to vector<8x8192xf32>
      %select_n3A_102 = arith.select %eq3A_99, %concatenate3A, %broadcast_in_dim3A_101 : vector<8x8192xi1>, vector<8x8192xf32>
      %reduce_sum3A = arith.constant dense<0.000000e+00> : vector<8xf32>
      %reduce_sum3A_103 = vector.multi_reduction <add>, %select_n3A_102, %reduce_sum3A [1] : vector<8x8192xf32> to vector<8xf32>
      %broadcast_in_dim3A_104 = vector.shape_cast %reduce_sum3A_103 : vector<8xf32> to vector<8x1xf32>
      %jit3A_105 = arith.constant 0.000000e+00 : f32
      %broadcast_in_dim3A_106 = vector.broadcast %jit3A_105 : f32 to vector<8x8192xf32>
      %select_n3A_107 = arith.select %eq3A_99, %concatenate3A_27, %broadcast_in_dim3A_106 : vector<8x8192xi1>, vector<8x8192xf32>
      %reduce_sum3A_108 = arith.constant dense<0.000000e+00> : vector<8xf32>
      %reduce_sum3A_109 = vector.multi_reduction <add>, %select_n3A_107, %reduce_sum3A_108 [1] : vector<8x8192xf32> to vector<8xf32>
      %broadcast_in_dim3A_110 = vector.shape_cast %reduce_sum3A_109 : vector<8xf32> to vector<8x1xf32>
      %jit3A_111 = arith.constant 0.000000e+00 : f32
      %broadcast_in_dim3A_112 = vector.broadcast %jit3A_111 : f32 to vector<8x8192xf32>
      %select_n3A_113 = arith.select %eq3A_99, %concatenate3A_33, %broadcast_in_dim3A_112 : vector<8x8192xi1>, vector<8x8192xf32>
      %reduce_sum3A_114 = arith.constant dense<0.000000e+00> : vector<8xf32>
      %reduce_sum3A_115 = vector.multi_reduction <add>, %select_n3A_113, %reduce_sum3A_114 [1] : vector<8x8192xf32> to vector<8xf32>
      %broadcast_in_dim3A_116 = vector.shape_cast %reduce_sum3A_115 : vector<8xf32> to vector<8x1xf32>
      %jit3A_117 = arith.constant 0.000000e+00 : f32
      %broadcast_in_dim3A_118 = vector.broadcast %jit3A_117 : f32 to vector<8x8192xf32>
      %select_n3A_119 = arith.select %eq3A_99, %concatenate3A_34, %broadcast_in_dim3A_118 : vector<8x8192xi1>, vector<8x8192xf32>
      %reduce_sum3A_120 = arith.constant dense<0.000000e+00> : vector<8xf32>
      %reduce_sum3A_121 = vector.multi_reduction <add>, %select_n3A_119, %reduce_sum3A_120 [1] : vector<8x8192xf32> to vector<8xf32>
      %broadcast_in_dim3A_122 = vector.shape_cast %reduce_sum3A_121 : vector<8xf32> to vector<8x1xf32>
      %eq3A_123 = vector.broadcast %scan3A_71 : i32 to vector<8x512xi32>
      %eq3A_124 = arith.cmpi eq, %iota3A_35, %eq3A_123 : vector<8x512xi32>
      %broadcast_in_dim3A_125 = vector.shape_cast %broadcast_in_dim3A_104 : vector<8x1xf32> to vector<8x1xf32>
      %broadcast_in_dim3A_126 = vector.broadcast %broadcast_in_dim3A_125 : vector<8x1xf32> to vector<8x512xf32>
      %select_n3A_127 = arith.select %eq3A_124, %broadcast_in_dim3A_126, %scan3A_76 : vector<8x512xi1>, vector<8x512xf32>
      %broadcast_in_dim3A_128 = vector.shape_cast %broadcast_in_dim3A_110 : vector<8x1xf32> to vector<8x1xf32>
      %broadcast_in_dim3A_129 = vector.broadcast %broadcast_in_dim3A_128 : vector<8x1xf32> to vector<8x512xf32>
      %select_n3A_130 = arith.select %eq3A_124, %broadcast_in_dim3A_129, %scan3A_77 : vector<8x512xi1>, vector<8x512xf32>
      %broadcast_in_dim3A_131 = vector.shape_cast %broadcast_in_dim3A_116 : vector<8x1xf32> to vector<8x1xf32>
      %broadcast_in_dim3A_132 = vector.broadcast %broadcast_in_dim3A_131 : vector<8x1xf32> to vector<8x512xf32>
      %select_n3A_133 = arith.select %eq3A_124, %broadcast_in_dim3A_132, %scan3A_78 : vector<8x512xi1>, vector<8x512xf32>
      %broadcast_in_dim3A_134 = vector.shape_cast %broadcast_in_dim3A_122 : vector<8x1xf32> to vector<8x1xf32>
      %broadcast_in_dim3A_135 = vector.broadcast %broadcast_in_dim3A_134 : vector<8x1xf32> to vector<8x512xf32>
      %select_n3A_136 = arith.select %eq3A_124, %broadcast_in_dim3A_135, %scan3A_79 : vector<8x512xi1>, vector<8x512xf32>
      scf.yield %min3A, %broadcast_in_dim3A_104, %broadcast_in_dim3A_110, %broadcast_in_dim3A_116, %select_n3A_127, %select_n3A_130, %select_n3A_133, %select_n3A_136 : vector<8x8192xf32>, vector<8x1xf32>, vector<8x1xf32>, vector<8x1xf32>, vector<8x512xf32>, vector<8x512xf32>, vector<8x512xf32>, vector<8x512xf32>
    }
    %scan3A_59 = arith.constant 511 : i32
    %swap3A = arith.constant 0 : index
    %swap3A_60 = arith.constant 0 : index
    %swap3A_61 = vector.load %arg2[%swap3A, %swap3A_60] : memref<8x512xf32, #tpu.memory_space<vmem>>, vector<8x512xf32>
    tpu.vector_store %arg2[%swap3A, %swap3A_60], %scan3A_58#4 {strides = array<i32>} : memref<8x512xf32, #tpu.memory_space<vmem>>, vector<8x512xf32>,
    %swap3A_62 = arith.constant 0 : index
    %swap3A_63 = arith.constant 0 : index
    %swap3A_64 = vector.load %arg3[%swap3A_62, %swap3A_63] : memref<8x512xf32, #tpu.memory_space<vmem>>, vector<8x512xf32>
    tpu.vector_store %arg3[%swap3A_62, %swap3A_63], %scan3A_58#5 {strides = array<i32>} : memref<8x512xf32, #tpu.memory_space<vmem>>, vector<8x512xf32>,
    %swap3A_65 = arith.constant 0 : index
    %swap3A_66 = arith.constant 0 : index
    %swap3A_67 = vector.load %arg4[%swap3A_65, %swap3A_66] : memref<8x512xf32, #tpu.memory_space<vmem>>, vector<8x512xf32>
    tpu.vector_store %arg4[%swap3A_65, %swap3A_66], %scan3A_58#6 {strides = array<i32>} : memref<8x512xf32, #tpu.memory_space<vmem>>, vector<8x512xf32>,
    %swap3A_68 = arith.constant 0 : index
    %swap3A_69 = arith.constant 0 : index
    %swap3A_70 = vector.load %arg5[%swap3A_68, %swap3A_69] : memref<8x512xf32, #tpu.memory_space<vmem>>, vector<8x512xf32>
    tpu.vector_store %arg5[%swap3A_68, %swap3A_69], %scan3A_58#7 {strides = array<i32>} : memref<8x512xf32, #tpu.memory_space<vmem>>, vector<8x512xf32>,
    return
  }
}

module attributes {stable_mosaic.version = 14 : i64} {
  func.func @_bq_body(%arg0: i32, %arg1: i32, %arg2: memref<1x3x8192xf32, #tpu.memory_space<vmem>>, %arg3: memref<1x128x3xf32, #tpu.memory_space<vmem>>, %arg4: memref<1x128x32xi32, #tpu.memory_space<vmem>>) attributes {dimension_semantics = [#tpu.dimension_semantics<arbitrary>, #tpu.dimension_semantics<arbitrary>], iteration_bounds = array<i64: 4, 8>, scalar_prefetch = 0 : i64, scratch_operands = 0 : i64, tpu.core_type = #tpu.core_type<tc>, window_params = [{transform_indices = @transform_0, window_bounds = array<i64: 1, 3, 8192>}, {transform_indices = @transform_1, window_bounds = array<i64: 1, 128, 3>}, {transform_indices = @transform_2, window_bounds = array<i64: 1, 128, 32>}]} {
    %get3A = arith.constant 0 : index
    %get3A_0 = arith.constant 0 : index
    %get3A_1 = arith.constant 0 : index
    %get3A_2 = vector.load %arg2[%get3A, %get3A_0, %get3A_1] : memref<1x3x8192xf32, #tpu.memory_space<vmem>>, vector<1x1x8192xf32>
    %get3A_3 = vector.shape_cast %get3A_2 : vector<1x1x8192xf32> to vector<1x8192xf32>
    %get3A_4 = arith.constant 0 : index
    %get3A_5 = arith.constant 1 : index
    %get3A_6 = arith.constant 0 : index
    %get3A_7 = vector.load %arg2[%get3A_4, %get3A_5, %get3A_6] : memref<1x3x8192xf32, #tpu.memory_space<vmem>>, vector<1x1x8192xf32>
    %get3A_8 = vector.shape_cast %get3A_7 : vector<1x1x8192xf32> to vector<1x8192xf32>
    %get3A_9 = arith.constant 0 : index
    %get3A_10 = arith.constant 2 : index
    %get3A_11 = arith.constant 0 : index
    %get3A_12 = vector.load %arg2[%get3A_9, %get3A_10, %get3A_11] : memref<1x3x8192xf32, #tpu.memory_space<vmem>>, vector<1x1x8192xf32>
    %get3A_13 = vector.shape_cast %get3A_12 : vector<1x1x8192xf32> to vector<1x8192xf32>
    %get3A_14 = arith.constant 0 : index
    %get3A_15 = arith.constant 0 : index
    %get3A_16 = arith.constant 0 : index
    %get3A_17 = vector.load %arg3[%get3A_14, %get3A_15, %get3A_16] : memref<1x128x3xf32, #tpu.memory_space<vmem>>, vector<1x128x1xf32>
    %get3A_18 = vector.shape_cast %get3A_17 : vector<1x128x1xf32> to vector<128x1xf32>
    %get3A_19 = arith.constant 0 : index
    %get3A_20 = arith.constant 0 : index
    %get3A_21 = arith.constant 1 : index
    %get3A_22 = vector.load %arg3[%get3A_19, %get3A_20, %get3A_21] : memref<1x128x3xf32, #tpu.memory_space<vmem>>, vector<1x128x1xf32>
    %get3A_23 = vector.shape_cast %get3A_22 : vector<1x128x1xf32> to vector<128x1xf32>
    %get3A_24 = arith.constant 0 : index
    %get3A_25 = arith.constant 0 : index
    %get3A_26 = arith.constant 2 : index
    %get3A_27 = vector.load %arg3[%get3A_24, %get3A_25, %get3A_26] : memref<1x128x3xf32, #tpu.memory_space<vmem>>, vector<1x128x1xf32>
    %get3A_28 = vector.shape_cast %get3A_27 : vector<1x128x1xf32> to vector<128x1xf32>
    %sub3A = vector.broadcast %get3A_18 : vector<128x1xf32> to vector<128x8192xf32>
    %sub3A_29 = vector.broadcast %get3A_3 : vector<1x8192xf32> to vector<128x8192xf32>
    %sub3A_30 = arith.subf %sub3A, %sub3A_29 : vector<128x8192xf32>
    %sub3A_31 = vector.broadcast %get3A_23 : vector<128x1xf32> to vector<128x8192xf32>
    %sub3A_32 = vector.broadcast %get3A_8 : vector<1x8192xf32> to vector<128x8192xf32>
    %sub3A_33 = arith.subf %sub3A_31, %sub3A_32 : vector<128x8192xf32>
    %sub3A_34 = vector.broadcast %get3A_28 : vector<128x1xf32> to vector<128x8192xf32>
    %sub3A_35 = vector.broadcast %get3A_13 : vector<1x8192xf32> to vector<128x8192xf32>
    %sub3A_36 = arith.subf %sub3A_34, %sub3A_35 : vector<128x8192xf32>
    %mul3A = arith.mulf %sub3A_30, %sub3A_30 : vector<128x8192xf32>
    %mul3A_37 = arith.mulf %sub3A_33, %sub3A_33 : vector<128x8192xf32>
    %add3A = arith.addf %mul3A, %mul3A_37 : vector<128x8192xf32>
    %mul3A_38 = arith.mulf %sub3A_36, %sub3A_36 : vector<128x8192xf32>
    %add3A_39 = arith.addf %add3A, %mul3A_38 : vector<128x8192xf32>
    %le3A = arith.constant 4.000000e-02 : f32
    %le3A_40 = vector.broadcast %le3A : f32 to vector<128x8192xf32>
    %le3A_41 = arith.cmpf ole, %add3A_39, %le3A_40 : vector<128x8192xf32>
    %jit3A = arith.constant 1 : i32
    %jit3A_42 = arith.constant 0 : i32
    %broadcast_in_dim3A = vector.broadcast %jit3A : i32 to vector<128x8192xi32>
    %broadcast_in_dim3A_43 = vector.broadcast %jit3A_42 : i32 to vector<128x8192xi32>
    %select_n3A = arith.select %le3A_41, %broadcast_in_dim3A, %broadcast_in_dim3A_43 : vector<128x8192xi1>, vector<128x8192xi32>
    %broadcast_in_dim3A_44 = arith.constant 0 : i32
    %broadcast_in_dim3A_45 = vector.broadcast %broadcast_in_dim3A_44 : i32 to vector<128x1xi32>
    %slice3A = vector.extract_strided_slice %select_n3A {offsets = [0, 0], sizes = [128, 8191], strides = [1, 1]} : vector<128x8192xi32> to vector<128x8191xi32>
    %concatenate3A = tpu.concatenate %broadcast_in_dim3A_45, %slice3A in 1 : vector<128x1xi32>, vector<128x8191xi32> -> vector<128x8192xi32>
    %add3A_46 = arith.addi %select_n3A, %concatenate3A : vector<128x8192xi32>
    %broadcast_in_dim3A_47 = arith.constant 0 : i32
    %broadcast_in_dim3A_48 = vector.broadcast %broadcast_in_dim3A_47 : i32 to vector<128x2xi32>
    %slice3A_49 = vector.extract_strided_slice %add3A_46 {offsets = [0, 0], sizes = [128, 8190], strides = [1, 1]} : vector<128x8192xi32> to vector<128x8190xi32>
    %concatenate3A_50 = tpu.concatenate %broadcast_in_dim3A_48, %slice3A_49 in 1 : vector<128x2xi32>, vector<128x8190xi32> -> vector<128x8192xi32>
    %add3A_51 = arith.addi %add3A_46, %concatenate3A_50 : vector<128x8192xi32>
    %broadcast_in_dim3A_52 = arith.constant 0 : i32
    %broadcast_in_dim3A_53 = vector.broadcast %broadcast_in_dim3A_52 : i32 to vector<128x4xi32>
    %slice3A_54 = vector.extract_strided_slice %add3A_51 {offsets = [0, 0], sizes = [128, 8188], strides = [1, 1]} : vector<128x8192xi32> to vector<128x8188xi32>
    %concatenate3A_55 = tpu.concatenate %broadcast_in_dim3A_53, %slice3A_54 in 1 : vector<128x4xi32>, vector<128x8188xi32> -> vector<128x8192xi32>
    %add3A_56 = arith.addi %add3A_51, %concatenate3A_55 : vector<128x8192xi32>
    %broadcast_in_dim3A_57 = arith.constant 0 : i32
    %broadcast_in_dim3A_58 = vector.broadcast %broadcast_in_dim3A_57 : i32 to vector<128x8xi32>
    %slice3A_59 = vector.extract_strided_slice %add3A_56 {offsets = [0, 0], sizes = [128, 8184], strides = [1, 1]} : vector<128x8192xi32> to vector<128x8184xi32>
    %concatenate3A_60 = tpu.concatenate %broadcast_in_dim3A_58, %slice3A_59 in 1 : vector<128x8xi32>, vector<128x8184xi32> -> vector<128x8192xi32>
    %add3A_61 = arith.addi %add3A_56, %concatenate3A_60 : vector<128x8192xi32>
    %broadcast_in_dim3A_62 = arith.constant 0 : i32
    %broadcast_in_dim3A_63 = vector.broadcast %broadcast_in_dim3A_62 : i32 to vector<128x16xi32>
    %slice3A_64 = vector.extract_strided_slice %add3A_61 {offsets = [0, 0], sizes = [128, 8176], strides = [1, 1]} : vector<128x8192xi32> to vector<128x8176xi32>
    %concatenate3A_65 = tpu.concatenate %broadcast_in_dim3A_63, %slice3A_64 in 1 : vector<128x16xi32>, vector<128x8176xi32> -> vector<128x8192xi32>
    %add3A_66 = arith.addi %add3A_61, %concatenate3A_65 : vector<128x8192xi32>
    %broadcast_in_dim3A_67 = arith.constant 0 : i32
    %broadcast_in_dim3A_68 = vector.broadcast %broadcast_in_dim3A_67 : i32 to vector<128x32xi32>
    %slice3A_69 = vector.extract_strided_slice %add3A_66 {offsets = [0, 0], sizes = [128, 8160], strides = [1, 1]} : vector<128x8192xi32> to vector<128x8160xi32>
    %concatenate3A_70 = tpu.concatenate %broadcast_in_dim3A_68, %slice3A_69 in 1 : vector<128x32xi32>, vector<128x8160xi32> -> vector<128x8192xi32>
    %add3A_71 = arith.addi %add3A_66, %concatenate3A_70 : vector<128x8192xi32>
    %broadcast_in_dim3A_72 = arith.constant 0 : i32
    %broadcast_in_dim3A_73 = vector.broadcast %broadcast_in_dim3A_72 : i32 to vector<128x64xi32>
    %slice3A_74 = vector.extract_strided_slice %add3A_71 {offsets = [0, 0], sizes = [128, 8128], strides = [1, 1]} : vector<128x8192xi32> to vector<128x8128xi32>
    %concatenate3A_75 = tpu.concatenate %broadcast_in_dim3A_73, %slice3A_74 in 1 : vector<128x64xi32>, vector<128x8128xi32> -> vector<128x8192xi32>
    %add3A_76 = arith.addi %add3A_71, %concatenate3A_75 : vector<128x8192xi32>
    %broadcast_in_dim3A_77 = arith.constant 0 : i32
    %broadcast_in_dim3A_78 = vector.broadcast %broadcast_in_dim3A_77 : i32 to vector<128x128xi32>
    %slice3A_79 = vector.extract_strided_slice %add3A_76 {offsets = [0, 0], sizes = [128, 8064], strides = [1, 1]} : vector<128x8192xi32> to vector<128x8064xi32>
    %concatenate3A_80 = tpu.concatenate %broadcast_in_dim3A_78, %slice3A_79 in 1 : vector<128x128xi32>, vector<128x8064xi32> -> vector<128x8192xi32>
    %add3A_81 = arith.addi %add3A_76, %concatenate3A_80 : vector<128x8192xi32>
    %broadcast_in_dim3A_82 = arith.constant 0 : i32
    %broadcast_in_dim3A_83 = vector.broadcast %broadcast_in_dim3A_82 : i32 to vector<128x256xi32>
    %slice3A_84 = vector.extract_strided_slice %add3A_81 {offsets = [0, 0], sizes = [128, 7936], strides = [1, 1]} : vector<128x8192xi32> to vector<128x7936xi32>
    %concatenate3A_85 = tpu.concatenate %broadcast_in_dim3A_83, %slice3A_84 in 1 : vector<128x256xi32>, vector<128x7936xi32> -> vector<128x8192xi32>
    %add3A_86 = arith.addi %add3A_81, %concatenate3A_85 : vector<128x8192xi32>
    %broadcast_in_dim3A_87 = arith.constant 0 : i32
    %broadcast_in_dim3A_88 = vector.broadcast %broadcast_in_dim3A_87 : i32 to vector<128x512xi32>
    %slice3A_89 = vector.extract_strided_slice %add3A_86 {offsets = [0, 0], sizes = [128, 7680], strides = [1, 1]} : vector<128x8192xi32> to vector<128x7680xi32>
    %concatenate3A_90 = tpu.concatenate %broadcast_in_dim3A_88, %slice3A_89 in 1 : vector<128x512xi32>, vector<128x7680xi32> -> vector<128x8192xi32>
    %add3A_91 = arith.addi %add3A_86, %concatenate3A_90 : vector<128x8192xi32>
    %broadcast_in_dim3A_92 = arith.constant 0 : i32
    %broadcast_in_dim3A_93 = vector.broadcast %broadcast_in_dim3A_92 : i32 to vector<128x1024xi32>
    %slice3A_94 = vector.extract_strided_slice %add3A_91 {offsets = [0, 0], sizes = [128, 7168], strides = [1, 1]} : vector<128x8192xi32> to vector<128x7168xi32>
    %concatenate3A_95 = tpu.concatenate %broadcast_in_dim3A_93, %slice3A_94 in 1 : vector<128x1024xi32>, vector<128x7168xi32> -> vector<128x8192xi32>
    %add3A_96 = arith.addi %add3A_91, %concatenate3A_95 : vector<128x8192xi32>
    %broadcast_in_dim3A_97 = arith.constant 0 : i32
    %broadcast_in_dim3A_98 = vector.broadcast %broadcast_in_dim3A_97 : i32 to vector<128x2048xi32>
    %slice3A_99 = vector.extract_strided_slice %add3A_96 {offsets = [0, 0], sizes = [128, 6144], strides = [1, 1]} : vector<128x8192xi32> to vector<128x6144xi32>
    %concatenate3A_100 = tpu.concatenate %broadcast_in_dim3A_98, %slice3A_99 in 1 : vector<128x2048xi32>, vector<128x6144xi32> -> vector<128x8192xi32>
    %add3A_101 = arith.addi %add3A_96, %concatenate3A_100 : vector<128x8192xi32>
    %broadcast_in_dim3A_102 = arith.constant 0 : i32
    %broadcast_in_dim3A_103 = vector.broadcast %broadcast_in_dim3A_102 : i32 to vector<128x4096xi32>
    %slice3A_104 = vector.extract_strided_slice %add3A_101 {offsets = [0, 0], sizes = [128, 4096], strides = [1, 1]} : vector<128x8192xi32> to vector<128x4096xi32>
    %concatenate3A_105 = tpu.concatenate %broadcast_in_dim3A_103, %slice3A_104 in 1 : vector<128x4096xi32>, vector<128x4096xi32> -> vector<128x8192xi32>
    %add3A_106 = arith.addi %add3A_101, %concatenate3A_105 : vector<128x8192xi32>
    %le3A_107 = arith.constant 0 : i32
    %le3A_108 = vector.broadcast %le3A_107 : i32 to vector<128x8192xi32>
    %le3A_109 = arith.cmpi sle, %add3A_106, %le3A_108 : vector<128x8192xi32>
    %le3A_110 = arith.constant 1 : i32
    %le3A_111 = vector.broadcast %le3A_110 : i32 to vector<128x8192xi32>
    %le3A_112 = arith.cmpi sle, %add3A_106, %le3A_111 : vector<128x8192xi32>
    %jit3A_113 = arith.constant 16384 : i32
    %jit3A_114 = arith.constant 0 : i32
    %broadcast_in_dim3A_115 = vector.broadcast %jit3A_113 : i32 to vector<128x8192xi32>
    %broadcast_in_dim3A_116 = vector.broadcast %jit3A_114 : i32 to vector<128x8192xi32>
    %select_n3A_117 = arith.select %le3A_112, %broadcast_in_dim3A_115, %broadcast_in_dim3A_116 : vector<128x8192xi1>, vector<128x8192xi32>
    %jit3A_118 = arith.constant 16385 : i32
    %broadcast_in_dim3A_119 = vector.broadcast %jit3A_118 : i32 to vector<128x8192xi32>
    %select_n3A_120 = arith.select %le3A_109, %broadcast_in_dim3A_119, %select_n3A_117 : vector<128x8192xi1>, vector<128x8192xi32>
    %reduce_sum3A = arith.constant dense<0> : vector<128xi32>
    %reduce_sum3A_121 = vector.multi_reduction <add>, %select_n3A_120, %reduce_sum3A [1] : vector<128x8192xi32> to vector<128xi32>
    %broadcast_in_dim3A_122 = vector.shape_cast %reduce_sum3A_121 : vector<128xi32> to vector<128x1xi32>
    %and3A = arith.constant 16383 : i32
    %and3A_123 = vector.broadcast %and3A : i32 to vector<128x1xi32>
    %and3A_124 = arith.andi %broadcast_in_dim3A_122, %and3A_123 : vector<128x1xi32>
    %shift_right_arithmetic3A = arith.constant 14 : i32
    %shift_right_arithmetic3A_125 = vector.broadcast %shift_right_arithmetic3A : i32 to vector<128x1xi32>
    %shift_right_arithmetic3A_126 = arith.shrsi %broadcast_in_dim3A_122, %shift_right_arithmetic3A_125 : vector<128x1xi32>
    %le3A_127 = arith.constant 2 : i32
    %le3A_128 = vector.broadcast %le3A_127 : i32 to vector<128x8192xi32>
    %le3A_129 = arith.cmpi sle, %add3A_106, %le3A_128 : vector<128x8192xi32>
    %le3A_130 = arith.constant 3 : i32
    %le3A_131 = vector.broadcast %le3A_130 : i32 to vector<128x8192xi32>
    %le3A_132 = arith.cmpi sle, %add3A_106, %le3A_131 : vector<128x8192xi32>
    %jit3A_133 = arith.constant 16384 : i32
    %jit3A_134 = arith.constant 0 : i32
    %broadcast_in_dim3A_135 = vector.broadcast %jit3A_133 : i32 to vector<128x8192xi32>
    %broadcast_in_dim3A_136 = vector.broadcast %jit3A_134 : i32 to vector<128x8192xi32>
    %select_n3A_137 = arith.select %le3A_132, %broadcast_in_dim3A_135, %broadcast_in_dim3A_136 : vector<128x8192xi1>, vector<128x8192xi32>
    %jit3A_138 = arith.constant 16385 : i32
    %broadcast_in_dim3A_139 = vector.broadcast %jit3A_138 : i32 to vector<128x8192xi32>
    %select_n3A_140 = arith.select %le3A_129, %broadcast_in_dim3A_139, %select_n3A_137 : vector<128x8192xi1>, vector<128x8192xi32>
    %reduce_sum3A_141 = arith.constant dense<0> : vector<128xi32>
    %reduce_sum3A_142 = vector.multi_reduction <add>, %select_n3A_140, %reduce_sum3A_141 [1] : vector<128x8192xi32> to vector<128xi32>
    %broadcast_in_dim3A_143 = vector.shape_cast %reduce_sum3A_142 : vector<128xi32> to vector<128x1xi32>
    %and3A_144 = arith.constant 16383 : i32
    %and3A_145 = vector.broadcast %and3A_144 : i32 to vector<128x1xi32>
    %and3A_146 = arith.andi %broadcast_in_dim3A_143, %and3A_145 : vector<128x1xi32>
    %shift_right_arithmetic3A_147 = arith.constant 14 : i32
    %shift_right_arithmetic3A_148 = vector.broadcast %shift_right_arithmetic3A_147 : i32 to vector<128x1xi32>
    %shift_right_arithmetic3A_149 = arith.shrsi %broadcast_in_dim3A_143, %shift_right_arithmetic3A_148 : vector<128x1xi32>
    %le3A_150 = arith.constant 4 : i32
    %le3A_151 = vector.broadcast %le3A_150 : i32 to vector<128x8192xi32>
    %le3A_152 = arith.cmpi sle, %add3A_106, %le3A_151 : vector<128x8192xi32>
    %le3A_153 = arith.constant 5 : i32
    %le3A_154 = vector.broadcast %le3A_153 : i32 to vector<128x8192xi32>
    %le3A_155 = arith.cmpi sle, %add3A_106, %le3A_154 : vector<128x8192xi32>
    %jit3A_156 = arith.constant 16384 : i32
    %jit3A_157 = arith.constant 0 : i32
    %broadcast_in_dim3A_158 = vector.broadcast %jit3A_156 : i32 to vector<128x8192xi32>
    %broadcast_in_dim3A_159 = vector.broadcast %jit3A_157 : i32 to vector<128x8192xi32>
    %select_n3A_160 = arith.select %le3A_155, %broadcast_in_dim3A_158, %broadcast_in_dim3A_159 : vector<128x8192xi1>, vector<128x8192xi32>
    %jit3A_161 = arith.constant 16385 : i32
    %broadcast_in_dim3A_162 = vector.broadcast %jit3A_161 : i32 to vector<128x8192xi32>
    %select_n3A_163 = arith.select %le3A_152, %broadcast_in_dim3A_162, %select_n3A_160 : vector<128x8192xi1>, vector<128x8192xi32>
    %reduce_sum3A_164 = arith.constant dense<0> : vector<128xi32>
    %reduce_sum3A_165 = vector.multi_reduction <add>, %select_n3A_163, %reduce_sum3A_164 [1] : vector<128x8192xi32> to vector<128xi32>
    %broadcast_in_dim3A_166 = vector.shape_cast %reduce_sum3A_165 : vector<128xi32> to vector<128x1xi32>
    %and3A_167 = arith.constant 16383 : i32
    %and3A_168 = vector.broadcast %and3A_167 : i32 to vector<128x1xi32>
    %and3A_169 = arith.andi %broadcast_in_dim3A_166, %and3A_168 : vector<128x1xi32>
    %shift_right_arithmetic3A_170 = arith.constant 14 : i32
    %shift_right_arithmetic3A_171 = vector.broadcast %shift_right_arithmetic3A_170 : i32 to vector<128x1xi32>
    %shift_right_arithmetic3A_172 = arith.shrsi %broadcast_in_dim3A_166, %shift_right_arithmetic3A_171 : vector<128x1xi32>
    %le3A_173 = arith.constant 6 : i32
    %le3A_174 = vector.broadcast %le3A_173 : i32 to vector<128x8192xi32>
    %le3A_175 = arith.cmpi sle, %add3A_106, %le3A_174 : vector<128x8192xi32>
    %le3A_176 = arith.constant 7 : i32
    %le3A_177 = vector.broadcast %le3A_176 : i32 to vector<128x8192xi32>
    %le3A_178 = arith.cmpi sle, %add3A_106, %le3A_177 : vector<128x8192xi32>
    %jit3A_179 = arith.constant 16384 : i32
    %jit3A_180 = arith.constant 0 : i32
    %broadcast_in_dim3A_181 = vector.broadcast %jit3A_179 : i32 to vector<128x8192xi32>
    %broadcast_in_dim3A_182 = vector.broadcast %jit3A_180 : i32 to vector<128x8192xi32>
    %select_n3A_183 = arith.select %le3A_178, %broadcast_in_dim3A_181, %broadcast_in_dim3A_182 : vector<128x8192xi1>, vector<128x8192xi32>
    %jit3A_184 = arith.constant 16385 : i32
    %broadcast_in_dim3A_185 = vector.broadcast %jit3A_184 : i32 to vector<128x8192xi32>
    %select_n3A_186 = arith.select %le3A_175, %broadcast_in_dim3A_185, %select_n3A_183 : vector<128x8192xi1>, vector<128x8192xi32>
    %reduce_sum3A_187 = arith.constant dense<0> : vector<128xi32>
    %reduce_sum3A_188 = vector.multi_reduction <add>, %select_n3A_186, %reduce_sum3A_187 [1] : vector<128x8192xi32> to vector<128xi32>
    %broadcast_in_dim3A_189 = vector.shape_cast %reduce_sum3A_188 : vector<128xi32> to vector<128x1xi32>
    %and3A_190 = arith.constant 16383 : i32
    %and3A_191 = vector.broadcast %and3A_190 : i32 to vector<128x1xi32>
    %and3A_192 = arith.andi %broadcast_in_dim3A_189, %and3A_191 : vector<128x1xi32>
    %shift_right_arithmetic3A_193 = arith.constant 14 : i32
    %shift_right_arithmetic3A_194 = vector.broadcast %shift_right_arithmetic3A_193 : i32 to vector<128x1xi32>
    %shift_right_arithmetic3A_195 = arith.shrsi %broadcast_in_dim3A_189, %shift_right_arithmetic3A_194 : vector<128x1xi32>
    %le3A_196 = arith.constant 8 : i32
    %le3A_197 = vector.broadcast %le3A_196 : i32 to vector<128x8192xi32>
    %le3A_198 = arith.cmpi sle, %add3A_106, %le3A_197 : vector<128x8192xi32>
    %le3A_199 = arith.constant 9 : i32
    %le3A_200 = vector.broadcast %le3A_199 : i32 to vector<128x8192xi32>
    %le3A_201 = arith.cmpi sle, %add3A_106, %le3A_200 : vector<128x8192xi32>
    %jit3A_202 = arith.constant 16384 : i32
    %jit3A_203 = arith.constant 0 : i32
    %broadcast_in_dim3A_204 = vector.broadcast %jit3A_202 : i32 to vector<128x8192xi32>
    %broadcast_in_dim3A_205 = vector.broadcast %jit3A_203 : i32 to vector<128x8192xi32>
    %select_n3A_206 = arith.select %le3A_201, %broadcast_in_dim3A_204, %broadcast_in_dim3A_205 : vector<128x8192xi1>, vector<128x8192xi32>
    %jit3A_207 = arith.constant 16385 : i32
    %broadcast_in_dim3A_208 = vector.broadcast %jit3A_207 : i32 to vector<128x8192xi32>
    %select_n3A_209 = arith.select %le3A_198, %broadcast_in_dim3A_208, %select_n3A_206 : vector<128x8192xi1>, vector<128x8192xi32>
    %reduce_sum3A_210 = arith.constant dense<0> : vector<128xi32>
    %reduce_sum3A_211 = vector.multi_reduction <add>, %select_n3A_209, %reduce_sum3A_210 [1] : vector<128x8192xi32> to vector<128xi32>
    %broadcast_in_dim3A_212 = vector.shape_cast %reduce_sum3A_211 : vector<128xi32> to vector<128x1xi32>
    %and3A_213 = arith.constant 16383 : i32
    %and3A_214 = vector.broadcast %and3A_213 : i32 to vector<128x1xi32>
    %and3A_215 = arith.andi %broadcast_in_dim3A_212, %and3A_214 : vector<128x1xi32>
    %shift_right_arithmetic3A_216 = arith.constant 14 : i32
    %shift_right_arithmetic3A_217 = vector.broadcast %shift_right_arithmetic3A_216 : i32 to vector<128x1xi32>
    %shift_right_arithmetic3A_218 = arith.shrsi %broadcast_in_dim3A_212, %shift_right_arithmetic3A_217 : vector<128x1xi32>
    %le3A_219 = arith.constant 10 : i32
    %le3A_220 = vector.broadcast %le3A_219 : i32 to vector<128x8192xi32>
    %le3A_221 = arith.cmpi sle, %add3A_106, %le3A_220 : vector<128x8192xi32>
    %le3A_222 = arith.constant 11 : i32
    %le3A_223 = vector.broadcast %le3A_222 : i32 to vector<128x8192xi32>
    %le3A_224 = arith.cmpi sle, %add3A_106, %le3A_223 : vector<128x8192xi32>
    %jit3A_225 = arith.constant 16384 : i32
    %jit3A_226 = arith.constant 0 : i32
    %broadcast_in_dim3A_227 = vector.broadcast %jit3A_225 : i32 to vector<128x8192xi32>
    %broadcast_in_dim3A_228 = vector.broadcast %jit3A_226 : i32 to vector<128x8192xi32>
    %select_n3A_229 = arith.select %le3A_224, %broadcast_in_dim3A_227, %broadcast_in_dim3A_228 : vector<128x8192xi1>, vector<128x8192xi32>
    %jit3A_230 = arith.constant 16385 : i32
    %broadcast_in_dim3A_231 = vector.broadcast %jit3A_230 : i32 to vector<128x8192xi32>
    %select_n3A_232 = arith.select %le3A_221, %broadcast_in_dim3A_231, %select_n3A_229 : vector<128x8192xi1>, vector<128x8192xi32>
    %reduce_sum3A_233 = arith.constant dense<0> : vector<128xi32>
    %reduce_sum3A_234 = vector.multi_reduction <add>, %select_n3A_232, %reduce_sum3A_233 [1] : vector<128x8192xi32> to vector<128xi32>
    %broadcast_in_dim3A_235 = vector.shape_cast %reduce_sum3A_234 : vector<128xi32> to vector<128x1xi32>
    %and3A_236 = arith.constant 16383 : i32
    %and3A_237 = vector.broadcast %and3A_236 : i32 to vector<128x1xi32>
    %and3A_238 = arith.andi %broadcast_in_dim3A_235, %and3A_237 : vector<128x1xi32>
    %shift_right_arithmetic3A_239 = arith.constant 14 : i32
    %shift_right_arithmetic3A_240 = vector.broadcast %shift_right_arithmetic3A_239 : i32 to vector<128x1xi32>
    %shift_right_arithmetic3A_241 = arith.shrsi %broadcast_in_dim3A_235, %shift_right_arithmetic3A_240 : vector<128x1xi32>
    %le3A_242 = arith.constant 12 : i32
    %le3A_243 = vector.broadcast %le3A_242 : i32 to vector<128x8192xi32>
    %le3A_244 = arith.cmpi sle, %add3A_106, %le3A_243 : vector<128x8192xi32>
    %le3A_245 = arith.constant 13 : i32
    %le3A_246 = vector.broadcast %le3A_245 : i32 to vector<128x8192xi32>
    %le3A_247 = arith.cmpi sle, %add3A_106, %le3A_246 : vector<128x8192xi32>
    %jit3A_248 = arith.constant 16384 : i32
    %jit3A_249 = arith.constant 0 : i32
    %broadcast_in_dim3A_250 = vector.broadcast %jit3A_248 : i32 to vector<128x8192xi32>
    %broadcast_in_dim3A_251 = vector.broadcast %jit3A_249 : i32 to vector<128x8192xi32>
    %select_n3A_252 = arith.select %le3A_247, %broadcast_in_dim3A_250, %broadcast_in_dim3A_251 : vector<128x8192xi1>, vector<128x8192xi32>
    %jit3A_253 = arith.constant 16385 : i32
    %broadcast_in_dim3A_254 = vector.broadcast %jit3A_253 : i32 to vector<128x8192xi32>
    %select_n3A_255 = arith.select %le3A_244, %broadcast_in_dim3A_254, %select_n3A_252 : vector<128x8192xi1>, vector<128x8192xi32>
    %reduce_sum3A_256 = arith.constant dense<0> : vector<128xi32>
    %reduce_sum3A_257 = vector.multi_reduction <add>, %select_n3A_255, %reduce_sum3A_256 [1] : vector<128x8192xi32> to vector<128xi32>
    %broadcast_in_dim3A_258 = vector.shape_cast %reduce_sum3A_257 : vector<128xi32> to vector<128x1xi32>
    %and3A_259 = arith.constant 16383 : i32
    %and3A_260 = vector.broadcast %and3A_259 : i32 to vector<128x1xi32>
    %and3A_261 = arith.andi %broadcast_in_dim3A_258, %and3A_260 : vector<128x1xi32>
    %shift_right_arithmetic3A_262 = arith.constant 14 : i32
    %shift_right_arithmetic3A_263 = vector.broadcast %shift_right_arithmetic3A_262 : i32 to vector<128x1xi32>
    %shift_right_arithmetic3A_264 = arith.shrsi %broadcast_in_dim3A_258, %shift_right_arithmetic3A_263 : vector<128x1xi32>
    %le3A_265 = arith.constant 14 : i32
    %le3A_266 = vector.broadcast %le3A_265 : i32 to vector<128x8192xi32>
    %le3A_267 = arith.cmpi sle, %add3A_106, %le3A_266 : vector<128x8192xi32>
    %le3A_268 = arith.constant 15 : i32
    %le3A_269 = vector.broadcast %le3A_268 : i32 to vector<128x8192xi32>
    %le3A_270 = arith.cmpi sle, %add3A_106, %le3A_269 : vector<128x8192xi32>
    %jit3A_271 = arith.constant 16384 : i32
    %jit3A_272 = arith.constant 0 : i32
    %broadcast_in_dim3A_273 = vector.broadcast %jit3A_271 : i32 to vector<128x8192xi32>
    %broadcast_in_dim3A_274 = vector.broadcast %jit3A_272 : i32 to vector<128x8192xi32>
    %select_n3A_275 = arith.select %le3A_270, %broadcast_in_dim3A_273, %broadcast_in_dim3A_274 : vector<128x8192xi1>, vector<128x8192xi32>
    %jit3A_276 = arith.constant 16385 : i32
    %broadcast_in_dim3A_277 = vector.broadcast %jit3A_276 : i32 to vector<128x8192xi32>
    %select_n3A_278 = arith.select %le3A_267, %broadcast_in_dim3A_277, %select_n3A_275 : vector<128x8192xi1>, vector<128x8192xi32>
    %reduce_sum3A_279 = arith.constant dense<0> : vector<128xi32>
    %reduce_sum3A_280 = vector.multi_reduction <add>, %select_n3A_278, %reduce_sum3A_279 [1] : vector<128x8192xi32> to vector<128xi32>
    %broadcast_in_dim3A_281 = vector.shape_cast %reduce_sum3A_280 : vector<128xi32> to vector<128x1xi32>
    %and3A_282 = arith.constant 16383 : i32
    %and3A_283 = vector.broadcast %and3A_282 : i32 to vector<128x1xi32>
    %and3A_284 = arith.andi %broadcast_in_dim3A_281, %and3A_283 : vector<128x1xi32>
    %shift_right_arithmetic3A_285 = arith.constant 14 : i32
    %shift_right_arithmetic3A_286 = vector.broadcast %shift_right_arithmetic3A_285 : i32 to vector<128x1xi32>
    %shift_right_arithmetic3A_287 = arith.shrsi %broadcast_in_dim3A_281, %shift_right_arithmetic3A_286 : vector<128x1xi32>
    %le3A_288 = arith.constant 16 : i32
    %le3A_289 = vector.broadcast %le3A_288 : i32 to vector<128x8192xi32>
    %le3A_290 = arith.cmpi sle, %add3A_106, %le3A_289 : vector<128x8192xi32>
    %le3A_291 = arith.constant 17 : i32
    %le3A_292 = vector.broadcast %le3A_291 : i32 to vector<128x8192xi32>
    %le3A_293 = arith.cmpi sle, %add3A_106, %le3A_292 : vector<128x8192xi32>
    %jit3A_294 = arith.constant 16384 : i32
    %jit3A_295 = arith.constant 0 : i32
    %broadcast_in_dim3A_296 = vector.broadcast %jit3A_294 : i32 to vector<128x8192xi32>
    %broadcast_in_dim3A_297 = vector.broadcast %jit3A_295 : i32 to vector<128x8192xi32>
    %select_n3A_298 = arith.select %le3A_293, %broadcast_in_dim3A_296, %broadcast_in_dim3A_297 : vector<128x8192xi1>, vector<128x8192xi32>
    %jit3A_299 = arith.constant 16385 : i32
    %broadcast_in_dim3A_300 = vector.broadcast %jit3A_299 : i32 to vector<128x8192xi32>
    %select_n3A_301 = arith.select %le3A_290, %broadcast_in_dim3A_300, %select_n3A_298 : vector<128x8192xi1>, vector<128x8192xi32>
    %reduce_sum3A_302 = arith.constant dense<0> : vector<128xi32>
    %reduce_sum3A_303 = vector.multi_reduction <add>, %select_n3A_301, %reduce_sum3A_302 [1] : vector<128x8192xi32> to vector<128xi32>
    %broadcast_in_dim3A_304 = vector.shape_cast %reduce_sum3A_303 : vector<128xi32> to vector<128x1xi32>
    %and3A_305 = arith.constant 16383 : i32
    %and3A_306 = vector.broadcast %and3A_305 : i32 to vector<128x1xi32>
    %and3A_307 = arith.andi %broadcast_in_dim3A_304, %and3A_306 : vector<128x1xi32>
    %shift_right_arithmetic3A_308 = arith.constant 14 : i32
    %shift_right_arithmetic3A_309 = vector.broadcast %shift_right_arithmetic3A_308 : i32 to vector<128x1xi32>
    %shift_right_arithmetic3A_310 = arith.shrsi %broadcast_in_dim3A_304, %shift_right_arithmetic3A_309 : vector<128x1xi32>
    %le3A_311 = arith.constant 18 : i32
    %le3A_312 = vector.broadcast %le3A_311 : i32 to vector<128x8192xi32>
    %le3A_313 = arith.cmpi sle, %add3A_106, %le3A_312 : vector<128x8192xi32>
    %le3A_314 = arith.constant 19 : i32
    %le3A_315 = vector.broadcast %le3A_314 : i32 to vector<128x8192xi32>
    %le3A_316 = arith.cmpi sle, %add3A_106, %le3A_315 : vector<128x8192xi32>
    %jit3A_317 = arith.constant 16384 : i32
    %jit3A_318 = arith.constant 0 : i32
    %broadcast_in_dim3A_319 = vector.broadcast %jit3A_317 : i32 to vector<128x8192xi32>
    %broadcast_in_dim3A_320 = vector.broadcast %jit3A_318 : i32 to vector<128x8192xi32>
    %select_n3A_321 = arith.select %le3A_316, %broadcast_in_dim3A_319, %broadcast_in_dim3A_320 : vector<128x8192xi1>, vector<128x8192xi32>
    %jit3A_322 = arith.constant 16385 : i32
    %broadcast_in_dim3A_323 = vector.broadcast %jit3A_322 : i32 to vector<128x8192xi32>
    %select_n3A_324 = arith.select %le3A_313, %broadcast_in_dim3A_323, %select_n3A_321 : vector<128x8192xi1>, vector<128x8192xi32>
    %reduce_sum3A_325 = arith.constant dense<0> : vector<128xi32>
    %reduce_sum3A_326 = vector.multi_reduction <add>, %select_n3A_324, %reduce_sum3A_325 [1] : vector<128x8192xi32> to vector<128xi32>
    %broadcast_in_dim3A_327 = vector.shape_cast %reduce_sum3A_326 : vector<128xi32> to vector<128x1xi32>
    %and3A_328 = arith.constant 16383 : i32
    %and3A_329 = vector.broadcast %and3A_328 : i32 to vector<128x1xi32>
    %and3A_330 = arith.andi %broadcast_in_dim3A_327, %and3A_329 : vector<128x1xi32>
    %shift_right_arithmetic3A_331 = arith.constant 14 : i32
    %shift_right_arithmetic3A_332 = vector.broadcast %shift_right_arithmetic3A_331 : i32 to vector<128x1xi32>
    %shift_right_arithmetic3A_333 = arith.shrsi %broadcast_in_dim3A_327, %shift_right_arithmetic3A_332 : vector<128x1xi32>
    %le3A_334 = arith.constant 20 : i32
    %le3A_335 = vector.broadcast %le3A_334 : i32 to vector<128x8192xi32>
    %le3A_336 = arith.cmpi sle, %add3A_106, %le3A_335 : vector<128x8192xi32>
    %le3A_337 = arith.constant 21 : i32
    %le3A_338 = vector.broadcast %le3A_337 : i32 to vector<128x8192xi32>
    %le3A_339 = arith.cmpi sle, %add3A_106, %le3A_338 : vector<128x8192xi32>
    %jit3A_340 = arith.constant 16384 : i32
    %jit3A_341 = arith.constant 0 : i32
    %broadcast_in_dim3A_342 = vector.broadcast %jit3A_340 : i32 to vector<128x8192xi32>
    %broadcast_in_dim3A_343 = vector.broadcast %jit3A_341 : i32 to vector<128x8192xi32>
    %select_n3A_344 = arith.select %le3A_339, %broadcast_in_dim3A_342, %broadcast_in_dim3A_343 : vector<128x8192xi1>, vector<128x8192xi32>
    %jit3A_345 = arith.constant 16385 : i32
    %broadcast_in_dim3A_346 = vector.broadcast %jit3A_345 : i32 to vector<128x8192xi32>
    %select_n3A_347 = arith.select %le3A_336, %broadcast_in_dim3A_346, %select_n3A_344 : vector<128x8192xi1>, vector<128x8192xi32>
    %reduce_sum3A_348 = arith.constant dense<0> : vector<128xi32>
    %reduce_sum3A_349 = vector.multi_reduction <add>, %select_n3A_347, %reduce_sum3A_348 [1] : vector<128x8192xi32> to vector<128xi32>
    %broadcast_in_dim3A_350 = vector.shape_cast %reduce_sum3A_349 : vector<128xi32> to vector<128x1xi32>
    %and3A_351 = arith.constant 16383 : i32
    %and3A_352 = vector.broadcast %and3A_351 : i32 to vector<128x1xi32>
    %and3A_353 = arith.andi %broadcast_in_dim3A_350, %and3A_352 : vector<128x1xi32>
    %shift_right_arithmetic3A_354 = arith.constant 14 : i32
    %shift_right_arithmetic3A_355 = vector.broadcast %shift_right_arithmetic3A_354 : i32 to vector<128x1xi32>
    %shift_right_arithmetic3A_356 = arith.shrsi %broadcast_in_dim3A_350, %shift_right_arithmetic3A_355 : vector<128x1xi32>
    %le3A_357 = arith.constant 22 : i32
    %le3A_358 = vector.broadcast %le3A_357 : i32 to vector<128x8192xi32>
    %le3A_359 = arith.cmpi sle, %add3A_106, %le3A_358 : vector<128x8192xi32>
    %le3A_360 = arith.constant 23 : i32
    %le3A_361 = vector.broadcast %le3A_360 : i32 to vector<128x8192xi32>
    %le3A_362 = arith.cmpi sle, %add3A_106, %le3A_361 : vector<128x8192xi32>
    %jit3A_363 = arith.constant 16384 : i32
    %jit3A_364 = arith.constant 0 : i32
    %broadcast_in_dim3A_365 = vector.broadcast %jit3A_363 : i32 to vector<128x8192xi32>
    %broadcast_in_dim3A_366 = vector.broadcast %jit3A_364 : i32 to vector<128x8192xi32>
    %select_n3A_367 = arith.select %le3A_362, %broadcast_in_dim3A_365, %broadcast_in_dim3A_366 : vector<128x8192xi1>, vector<128x8192xi32>
    %jit3A_368 = arith.constant 16385 : i32
    %broadcast_in_dim3A_369 = vector.broadcast %jit3A_368 : i32 to vector<128x8192xi32>
    %select_n3A_370 = arith.select %le3A_359, %broadcast_in_dim3A_369, %select_n3A_367 : vector<128x8192xi1>, vector<128x8192xi32>
    %reduce_sum3A_371 = arith.constant dense<0> : vector<128xi32>
    %reduce_sum3A_372 = vector.multi_reduction <add>, %select_n3A_370, %reduce_sum3A_371 [1] : vector<128x8192xi32> to vector<128xi32>
    %broadcast_in_dim3A_373 = vector.shape_cast %reduce_sum3A_372 : vector<128xi32> to vector<128x1xi32>
    %and3A_374 = arith.constant 16383 : i32
    %and3A_375 = vector.broadcast %and3A_374 : i32 to vector<128x1xi32>
    %and3A_376 = arith.andi %broadcast_in_dim3A_373, %and3A_375 : vector<128x1xi32>
    %shift_right_arithmetic3A_377 = arith.constant 14 : i32
    %shift_right_arithmetic3A_378 = vector.broadcast %shift_right_arithmetic3A_377 : i32 to vector<128x1xi32>
    %shift_right_arithmetic3A_379 = arith.shrsi %broadcast_in_dim3A_373, %shift_right_arithmetic3A_378 : vector<128x1xi32>
    %le3A_380 = arith.constant 24 : i32
    %le3A_381 = vector.broadcast %le3A_380 : i32 to vector<128x8192xi32>
    %le3A_382 = arith.cmpi sle, %add3A_106, %le3A_381 : vector<128x8192xi32>
    %le3A_383 = arith.constant 25 : i32
    %le3A_384 = vector.broadcast %le3A_383 : i32 to vector<128x8192xi32>
    %le3A_385 = arith.cmpi sle, %add3A_106, %le3A_384 : vector<128x8192xi32>
    %jit3A_386 = arith.constant 16384 : i32
    %jit3A_387 = arith.constant 0 : i32
    %broadcast_in_dim3A_388 = vector.broadcast %jit3A_386 : i32 to vector<128x8192xi32>
    %broadcast_in_dim3A_389 = vector.broadcast %jit3A_387 : i32 to vector<128x8192xi32>
    %select_n3A_390 = arith.select %le3A_385, %broadcast_in_dim3A_388, %broadcast_in_dim3A_389 : vector<128x8192xi1>, vector<128x8192xi32>
    %jit3A_391 = arith.constant 16385 : i32
    %broadcast_in_dim3A_392 = vector.broadcast %jit3A_391 : i32 to vector<128x8192xi32>
    %select_n3A_393 = arith.select %le3A_382, %broadcast_in_dim3A_392, %select_n3A_390 : vector<128x8192xi1>, vector<128x8192xi32>
    %reduce_sum3A_394 = arith.constant dense<0> : vector<128xi32>
    %reduce_sum3A_395 = vector.multi_reduction <add>, %select_n3A_393, %reduce_sum3A_394 [1] : vector<128x8192xi32> to vector<128xi32>
    %broadcast_in_dim3A_396 = vector.shape_cast %reduce_sum3A_395 : vector<128xi32> to vector<128x1xi32>
    %and3A_397 = arith.constant 16383 : i32
    %and3A_398 = vector.broadcast %and3A_397 : i32 to vector<128x1xi32>
    %and3A_399 = arith.andi %broadcast_in_dim3A_396, %and3A_398 : vector<128x1xi32>
    %shift_right_arithmetic3A_400 = arith.constant 14 : i32
    %shift_right_arithmetic3A_401 = vector.broadcast %shift_right_arithmetic3A_400 : i32 to vector<128x1xi32>
    %shift_right_arithmetic3A_402 = arith.shrsi %broadcast_in_dim3A_396, %shift_right_arithmetic3A_401 : vector<128x1xi32>
    %le3A_403 = arith.constant 26 : i32
    %le3A_404 = vector.broadcast %le3A_403 : i32 to vector<128x8192xi32>
    %le3A_405 = arith.cmpi sle, %add3A_106, %le3A_404 : vector<128x8192xi32>
    %le3A_406 = arith.constant 27 : i32
    %le3A_407 = vector.broadcast %le3A_406 : i32 to vector<128x8192xi32>
    %le3A_408 = arith.cmpi sle, %add3A_106, %le3A_407 : vector<128x8192xi32>
    %jit3A_409 = arith.constant 16384 : i32
    %jit3A_410 = arith.constant 0 : i32
    %broadcast_in_dim3A_411 = vector.broadcast %jit3A_409 : i32 to vector<128x8192xi32>
    %broadcast_in_dim3A_412 = vector.broadcast %jit3A_410 : i32 to vector<128x8192xi32>
    %select_n3A_413 = arith.select %le3A_408, %broadcast_in_dim3A_411, %broadcast_in_dim3A_412 : vector<128x8192xi1>, vector<128x8192xi32>
    %jit3A_414 = arith.constant 16385 : i32
    %broadcast_in_dim3A_415 = vector.broadcast %jit3A_414 : i32 to vector<128x8192xi32>
    %select_n3A_416 = arith.select %le3A_405, %broadcast_in_dim3A_415, %select_n3A_413 : vector<128x8192xi1>, vector<128x8192xi32>
    %reduce_sum3A_417 = arith.constant dense<0> : vector<128xi32>
    %reduce_sum3A_418 = vector.multi_reduction <add>, %select_n3A_416, %reduce_sum3A_417 [1] : vector<128x8192xi32> to vector<128xi32>
    %broadcast_in_dim3A_419 = vector.shape_cast %reduce_sum3A_418 : vector<128xi32> to vector<128x1xi32>
    %and3A_420 = arith.constant 16383 : i32
    %and3A_421 = vector.broadcast %and3A_420 : i32 to vector<128x1xi32>
    %and3A_422 = arith.andi %broadcast_in_dim3A_419, %and3A_421 : vector<128x1xi32>
    %shift_right_arithmetic3A_423 = arith.constant 14 : i32
    %shift_right_arithmetic3A_424 = vector.broadcast %shift_right_arithmetic3A_423 : i32 to vector<128x1xi32>
    %shift_right_arithmetic3A_425 = arith.shrsi %broadcast_in_dim3A_419, %shift_right_arithmetic3A_424 : vector<128x1xi32>
    %le3A_426 = arith.constant 28 : i32
    %le3A_427 = vector.broadcast %le3A_426 : i32 to vector<128x8192xi32>
    %le3A_428 = arith.cmpi sle, %add3A_106, %le3A_427 : vector<128x8192xi32>
    %le3A_429 = arith.constant 29 : i32
    %le3A_430 = vector.broadcast %le3A_429 : i32 to vector<128x8192xi32>
    %le3A_431 = arith.cmpi sle, %add3A_106, %le3A_430 : vector<128x8192xi32>
    %jit3A_432 = arith.constant 16384 : i32
    %jit3A_433 = arith.constant 0 : i32
    %broadcast_in_dim3A_434 = vector.broadcast %jit3A_432 : i32 to vector<128x8192xi32>
    %broadcast_in_dim3A_435 = vector.broadcast %jit3A_433 : i32 to vector<128x8192xi32>
    %select_n3A_436 = arith.select %le3A_431, %broadcast_in_dim3A_434, %broadcast_in_dim3A_435 : vector<128x8192xi1>, vector<128x8192xi32>
    %jit3A_437 = arith.constant 16385 : i32
    %broadcast_in_dim3A_438 = vector.broadcast %jit3A_437 : i32 to vector<128x8192xi32>
    %select_n3A_439 = arith.select %le3A_428, %broadcast_in_dim3A_438, %select_n3A_436 : vector<128x8192xi1>, vector<128x8192xi32>
    %reduce_sum3A_440 = arith.constant dense<0> : vector<128xi32>
    %reduce_sum3A_441 = vector.multi_reduction <add>, %select_n3A_439, %reduce_sum3A_440 [1] : vector<128x8192xi32> to vector<128xi32>
    %broadcast_in_dim3A_442 = vector.shape_cast %reduce_sum3A_441 : vector<128xi32> to vector<128x1xi32>
    %and3A_443 = arith.constant 16383 : i32
    %and3A_444 = vector.broadcast %and3A_443 : i32 to vector<128x1xi32>
    %and3A_445 = arith.andi %broadcast_in_dim3A_442, %and3A_444 : vector<128x1xi32>
    %shift_right_arithmetic3A_446 = arith.constant 14 : i32
    %shift_right_arithmetic3A_447 = vector.broadcast %shift_right_arithmetic3A_446 : i32 to vector<128x1xi32>
    %shift_right_arithmetic3A_448 = arith.shrsi %broadcast_in_dim3A_442, %shift_right_arithmetic3A_447 : vector<128x1xi32>
    %le3A_449 = arith.constant 30 : i32
    %le3A_450 = vector.broadcast %le3A_449 : i32 to vector<128x8192xi32>
    %le3A_451 = arith.cmpi sle, %add3A_106, %le3A_450 : vector<128x8192xi32>
    %le3A_452 = arith.constant 31 : i32
    %le3A_453 = vector.broadcast %le3A_452 : i32 to vector<128x8192xi32>
    %le3A_454 = arith.cmpi sle, %add3A_106, %le3A_453 : vector<128x8192xi32>
    %jit3A_455 = arith.constant 16384 : i32
    %jit3A_456 = arith.constant 0 : i32
    %broadcast_in_dim3A_457 = vector.broadcast %jit3A_455 : i32 to vector<128x8192xi32>
    %broadcast_in_dim3A_458 = vector.broadcast %jit3A_456 : i32 to vector<128x8192xi32>
    %select_n3A_459 = arith.select %le3A_454, %broadcast_in_dim3A_457, %broadcast_in_dim3A_458 : vector<128x8192xi1>, vector<128x8192xi32>
    %jit3A_460 = arith.constant 16385 : i32
    %broadcast_in_dim3A_461 = vector.broadcast %jit3A_460 : i32 to vector<128x8192xi32>
    %select_n3A_462 = arith.select %le3A_451, %broadcast_in_dim3A_461, %select_n3A_459 : vector<128x8192xi1>, vector<128x8192xi32>
    %reduce_sum3A_463 = arith.constant dense<0> : vector<128xi32>
    %reduce_sum3A_464 = vector.multi_reduction <add>, %select_n3A_462, %reduce_sum3A_463 [1] : vector<128x8192xi32> to vector<128xi32>
    %broadcast_in_dim3A_465 = vector.shape_cast %reduce_sum3A_464 : vector<128xi32> to vector<128x1xi32>
    %and3A_466 = arith.constant 16383 : i32
    %and3A_467 = vector.broadcast %and3A_466 : i32 to vector<128x1xi32>
    %and3A_468 = arith.andi %broadcast_in_dim3A_465, %and3A_467 : vector<128x1xi32>
    %shift_right_arithmetic3A_469 = arith.constant 14 : i32
    %shift_right_arithmetic3A_470 = vector.broadcast %shift_right_arithmetic3A_469 : i32 to vector<128x1xi32>
    %shift_right_arithmetic3A_471 = arith.shrsi %broadcast_in_dim3A_465, %shift_right_arithmetic3A_470 : vector<128x1xi32>
    %concatenate3A_472 = tpu.concatenate %and3A_124, %shift_right_arithmetic3A_126, %and3A_146, %shift_right_arithmetic3A_149, %and3A_169, %shift_right_arithmetic3A_172, %and3A_192, %shift_right_arithmetic3A_195, %and3A_215, %shift_right_arithmetic3A_218, %and3A_238, %shift_right_arithmetic3A_241, %and3A_261, %shift_right_arithmetic3A_264, %and3A_284, %shift_right_arithmetic3A_287, %and3A_307, %shift_right_arithmetic3A_310, %and3A_330, %shift_right_arithmetic3A_333, %and3A_353, %shift_right_arithmetic3A_356, %and3A_376, %shift_right_arithmetic3A_379, %and3A_399, %shift_right_arithmetic3A_402, %and3A_422, %shift_right_arithmetic3A_425, %and3A_445, %shift_right_arithmetic3A_448, %and3A_468, %shift_right_arithmetic3A_471 in 1 : vector<128x1xi32>, vector<128x1xi32>, vector<128x1xi32>, vector<128x1xi32>, vector<128x1xi32>, vector<128x1xi32>, vector<128x1xi32>, vector<128x1xi32>, vector<128x1xi32>, vector<128x1xi32>, vector<128x1xi32>, vector<128x1xi32>, vector<128x1xi32>, vector<128x1xi32>, vector<128x1xi32>, vector<128x1xi32>, vector<128x1xi32>, vector<128x1xi32>, vector<128x1xi32>, vector<128x1xi32>, vector<128x1xi32>, vector<128x1xi32>, vector<128x1xi32>, vector<128x1xi32>, vector<128x1xi32>, vector<128x1xi32>, vector<128x1xi32>, vector<128x1xi32>, vector<128x1xi32>, vector<128x1xi32>, vector<128x1xi32>, vector<128x1xi32> -> vector<128x32xi32>
    %slice3A_473 = vector.extract_strided_slice %concatenate3A_472 {offsets = [0, 0], sizes = [128, 1], strides = [1, 1]} : vector<128x32xi32> to vector<128x1xi32>
    %lt3A = arith.constant 8192 : i32
    %lt3A_474 = vector.broadcast %lt3A : i32 to vector<128x1xi32>
    %lt3A_475 = arith.cmpi slt, %slice3A_473, %lt3A_474 : vector<128x1xi32>
    %jit3A_476 = arith.constant 0 : i32
    %broadcast_in_dim3A_477 = vector.broadcast %jit3A_476 : i32 to vector<128x1xi32>
    %select_n3A_478 = arith.select %lt3A_475, %slice3A_473, %broadcast_in_dim3A_477 : vector<128x1xi1>, vector<128x1xi32>
    %lt3A_479 = arith.constant 8192 : i32
    %lt3A_480 = vector.broadcast %lt3A_479 : i32 to vector<128x32xi32>
    %lt3A_481 = arith.cmpi slt, %concatenate3A_472, %lt3A_480 : vector<128x32xi32>
    %broadcast_in_dim3A_482 = vector.shape_cast %select_n3A_478 : vector<128x1xi32> to vector<128x1xi32>
    %broadcast_in_dim3A_483 = vector.broadcast %broadcast_in_dim3A_482 : vector<128x1xi32> to vector<128x32xi32>
    %select_n3A_484 = arith.select %lt3A_481, %concatenate3A_472, %broadcast_in_dim3A_483 : vector<128x32xi1>, vector<128x32xi32>
    %mul3A_485 = arith.constant 8192 : i32
    %mul3A_486 = arith.muli %arg0, %mul3A_485 : i32
    %add3A_487 = vector.broadcast %mul3A_486 : i32 to vector<128x32xi32>
    %add3A_488 = arith.addi %select_n3A_484, %add3A_487 : vector<128x32xi32>
    %swap3A = arith.constant 0 : index
    %swap3A_489 = arith.constant 0 : index
    %swap3A_490 = arith.constant 0 : index
    %swap3A_491 = vector.load %arg4[%swap3A, %swap3A_489, %swap3A_490] : memref<1x128x32xi32, #tpu.memory_space<vmem>>, vector<1x128x32xi32>
    %swap3A_492 = vector.shape_cast %swap3A_491 : vector<1x128x32xi32> to vector<128x32xi32>
    %swap3A_493 = vector.shape_cast %add3A_488 : vector<128x32xi32> to vector<1x128x32xi32>
    tpu.vector_store %arg4[%swap3A, %swap3A_489, %swap3A_490], %swap3A_493 {strides = array<i32>} : memref<1x128x32xi32, #tpu.memory_space<vmem>>, vector<1x128x32xi32>,
    return
  }
  func.func @transform_0(%arg0: i32, %arg1: i32) -> (i32, i32, i32) {
    %c0_i32 = arith.constant 0 : i32
    %c0_i32_0 = arith.constant 0 : i32
    %c0_i32_1 = arith.constant 0 : i32
    return %arg0, %c0_i32, %c0_i32_0 : i32, i32, i32
  }
  func.func @transform_1(%arg0: i32, %arg1: i32) -> (i32, i32, i32) {
    %c0_i32 = arith.constant 0 : i32
    %c0_i32_0 = arith.constant 0 : i32
    return %arg0, %arg1, %c0_i32 : i32, i32, i32
  }
  func.func @transform_2(%arg0: i32, %arg1: i32) -> (i32, i32, i32) {
    %c0_i32 = arith.constant 0 : i32
    %c0_i32_0 = arith.constant 0 : i32
    return %arg0, %arg1, %c0_i32 : i32, i32, i32
  }
}

module attributes {stable_mosaic.version = 14 : i64} {
  func.func @_mlp_body(%arg0: i32, %arg1: i32, %arg2: memref<1x4096x16xf32, #tpu.memory_space<vmem>>, %arg3: memref<1x128x3xf32, #tpu.memory_space<vmem>>, %arg4: memref<32x16xf32, #tpu.memory_space<vmem>>, %arg5: memref<1x32xf32, #tpu.memory_space<vmem>>, %arg6: memref<32x32xf32, #tpu.memory_space<vmem>>, %arg7: memref<1x32xf32, #tpu.memory_space<vmem>>, %arg8: memref<64x32xf32, #tpu.memory_space<vmem>>, %arg9: memref<1x64xf32, #tpu.memory_space<vmem>>, %arg10: memref<1x128x64xf32, #tpu.memory_space<vmem>>) attributes {dimension_semantics = [#tpu.dimension_semantics<arbitrary>, #tpu.dimension_semantics<arbitrary>], iteration_bounds = array<i64: 4, 8>, scalar_prefetch = 0 : i64, scratch_operands = 0 : i64, tpu.core_type = #tpu.core_type<tc>, window_params = [{transform_indices = @transform_0, window_bounds = array<i64: 1, 4096, 16>}, {transform_indices = @transform_1, window_bounds = array<i64: 1, 128, 3>}, {pipeline_mode = #tpu.pipeline_mode<synchronous>, transform_indices = @transform_2, window_bounds = array<i64: 32, 16>}, {pipeline_mode = #tpu.pipeline_mode<synchronous>, transform_indices = @transform_3, window_bounds = array<i64: 1, 32>}, {pipeline_mode = #tpu.pipeline_mode<synchronous>, transform_indices = @transform_4, window_bounds = array<i64: 32, 32>}, {pipeline_mode = #tpu.pipeline_mode<synchronous>, transform_indices = @transform_5, window_bounds = array<i64: 1, 32>}, {pipeline_mode = #tpu.pipeline_mode<synchronous>, transform_indices = @transform_6, window_bounds = array<i64: 64, 32>}, {pipeline_mode = #tpu.pipeline_mode<synchronous>, transform_indices = @transform_7, window_bounds = array<i64: 1, 64>}, {transform_indices = @transform_8, window_bounds = array<i64: 1, 128, 64>}]} {
    %get3A = arith.constant 0 : index
    %get3A_0 = arith.constant 0 : index
    %get3A_1 = arith.constant 0 : index
    %get3A_2 = vector.load %arg2[%get3A, %get3A_0, %get3A_1] : memref<1x4096x16xf32, #tpu.memory_space<vmem>>, vector<1x4096x16xf32>
    %get3A_3 = vector.shape_cast %get3A_2 : vector<1x4096x16xf32> to vector<4096x16xf32>
    %get3A_4 = arith.constant 0 : index
    %get3A_5 = arith.constant 0 : index
    %get3A_6 = arith.constant 0 : index
    %get3A_7 = vector.load %arg3[%get3A_4, %get3A_5, %get3A_6] : memref<1x128x3xf32, #tpu.memory_space<vmem>>, vector<1x128x3xf32>
    %get3A_8 = vector.shape_cast %get3A_7 : vector<1x128x3xf32> to vector<128x3xf32>
    %reshape3A = vector.shape_cast %get3A_3 : vector<4096x16xf32> to vector<128x32x16xf32>
    %slice3A = vector.extract_strided_slice %reshape3A {offsets = [0, 0, 0], sizes = [128, 32, 3], strides = [1, 1, 1]} : vector<128x32x16xf32> to vector<128x32x3xf32>
    %broadcast_in_dim3A = vector.shape_cast %get3A_8 : vector<128x3xf32> to vector<128x1x3xf32>
    %sub3A = vector.broadcast %broadcast_in_dim3A : vector<128x1x3xf32> to vector<128x32x3xf32>
    %sub3A_9 = arith.subf %slice3A, %sub3A : vector<128x32x3xf32>
    %slice3A_10 = vector.extract_strided_slice %reshape3A {offsets = [0, 0, 3], sizes = [128, 32, 13], strides = [1, 1, 1]} : vector<128x32x16xf32> to vector<128x32x13xf32>
    %concatenate3A = tpu.concatenate %sub3A_9, %slice3A_10 in 2 : vector<128x32x3xf32>, vector<128x32x13xf32> -> vector<128x32x16xf32>
    %reshape3A_11 = vector.shape_cast %concatenate3A : vector<128x32x16xf32> to vector<4096x16xf32>
    %get3A_12 = arith.constant 0 : index
    %get3A_13 = arith.constant 0 : index
    %get3A_14 = vector.load %arg4[%get3A_12, %get3A_13] : memref<32x16xf32, #tpu.memory_space<vmem>>, vector<32x16xf32>
    %get3A_15 = arith.constant 0 : index
    %get3A_16 = arith.constant 0 : index
    %get3A_17 = vector.load %arg5[%get3A_15, %get3A_16] : memref<1x32xf32, #tpu.memory_space<vmem>>, vector<1x32xf32>
    %dot_general3A = arith.constant dense<0.000000e+00> : vector<4096x32xf32>
    %dot_general3A_18 = tpu.matmul %reshape3A_11, %get3A_14, %dot_general3A {dimension_numbers = #tpu.dot_dimension_numbers<[1], [1], [0], [0], [0, 0, 1, 0], [], []>, transpose_lhs_hint = false} : vector<4096x16xf32>, vector<32x16xf32>, vector<4096x32xf32> -> vector<4096x32xf32>
    %add3A = vector.broadcast %get3A_17 : vector<1x32xf32> to vector<4096x32xf32>
    %add3A_19 = arith.addf %dot_general3A_18, %add3A : vector<4096x32xf32>
    %max3A = arith.constant 0.000000e+00 : f32
    %max3A_20 = vector.broadcast %max3A : f32 to vector<4096x32xf32>
    %max3A_21 = arith.maximumf %add3A_19, %max3A_20 : vector<4096x32xf32>
    %get3A_22 = arith.constant 0 : index
    %get3A_23 = arith.constant 0 : index
    %get3A_24 = vector.load %arg6[%get3A_22, %get3A_23] : memref<32x32xf32, #tpu.memory_space<vmem>>, vector<32x32xf32>
    %get3A_25 = arith.constant 0 : index
    %get3A_26 = arith.constant 0 : index
    %get3A_27 = vector.load %arg7[%get3A_25, %get3A_26] : memref<1x32xf32, #tpu.memory_space<vmem>>, vector<1x32xf32>
    %dot_general3A_28 = arith.constant dense<0.000000e+00> : vector<4096x32xf32>
    %dot_general3A_29 = tpu.matmul %max3A_21, %get3A_24, %dot_general3A_28 {dimension_numbers = #tpu.dot_dimension_numbers<[1], [1], [0], [0], [0, 0, 1, 0], [], []>, transpose_lhs_hint = false} : vector<4096x32xf32>, vector<32x32xf32>, vector<4096x32xf32> -> vector<4096x32xf32>
    %add3A_30 = vector.broadcast %get3A_27 : vector<1x32xf32> to vector<4096x32xf32>
    %add3A_31 = arith.addf %dot_general3A_29, %add3A_30 : vector<4096x32xf32>
    %max3A_32 = arith.constant 0.000000e+00 : f32
    %max3A_33 = vector.broadcast %max3A_32 : f32 to vector<4096x32xf32>
    %max3A_34 = arith.maximumf %add3A_31, %max3A_33 : vector<4096x32xf32>
    %get3A_35 = arith.constant 0 : index
    %get3A_36 = arith.constant 0 : index
    %get3A_37 = vector.load %arg8[%get3A_35, %get3A_36] : memref<64x32xf32, #tpu.memory_space<vmem>>, vector<64x32xf32>
    %get3A_38 = arith.constant 0 : index
    %get3A_39 = arith.constant 0 : index
    %get3A_40 = vector.load %arg9[%get3A_38, %get3A_39] : memref<1x64xf32, #tpu.memory_space<vmem>>, vector<1x64xf32>
    %dot_general3A_41 = arith.constant dense<0.000000e+00> : vector<4096x64xf32>
    %dot_general3A_42 = tpu.matmul %max3A_34, %get3A_37, %dot_general3A_41 {dimension_numbers = #tpu.dot_dimension_numbers<[1], [1], [0], [0], [0, 0, 1, 0], [], []>, transpose_lhs_hint = false} : vector<4096x32xf32>, vector<64x32xf32>, vector<4096x64xf32> -> vector<4096x64xf32>
    %add3A_43 = vector.broadcast %get3A_40 : vector<1x64xf32> to vector<4096x64xf32>
    %add3A_44 = arith.addf %dot_general3A_42, %add3A_43 : vector<4096x64xf32>
    %max3A_45 = arith.constant 0.000000e+00 : f32
    %max3A_46 = vector.broadcast %max3A_45 : f32 to vector<4096x64xf32>
    %max3A_47 = arith.maximumf %add3A_44, %max3A_46 : vector<4096x64xf32>
    %reshape3A_48 = vector.shape_cast %max3A_47 : vector<4096x64xf32> to vector<128x32x64xf32>
    %reduce_max3A = arith.constant dense<0xFF800000> : vector<128x64xf32>
    %reduce_max3A_49 = vector.multi_reduction <maximumf>, %reshape3A_48, %reduce_max3A [1] : vector<128x32x64xf32> to vector<128x64xf32>
    %swap3A = arith.constant 0 : index
    %swap3A_50 = arith.constant 0 : index
    %swap3A_51 = arith.constant 0 : index
    %swap3A_52 = vector.load %arg10[%swap3A, %swap3A_50, %swap3A_51] : memref<1x128x64xf32, #tpu.memory_space<vmem>>, vector<1x128x64xf32>
    %swap3A_53 = vector.shape_cast %swap3A_52 : vector<1x128x64xf32> to vector<128x64xf32>
    %swap3A_54 = vector.shape_cast %reduce_max3A_49 : vector<128x64xf32> to vector<1x128x64xf32>
    tpu.vector_store %arg10[%swap3A, %swap3A_50, %swap3A_51], %swap3A_54 {strides = array<i32>} : memref<1x128x64xf32, #tpu.memory_space<vmem>>, vector<1x128x64xf32>,
    return
  }
  func.func @transform_0(%arg0: i32, %arg1: i32) -> (i32, i32, i32) {
    %c0_i32 = arith.constant 0 : i32
    %c0_i32_0 = arith.constant 0 : i32
    return %arg0, %arg1, %c0_i32 : i32, i32, i32
  }
  func.func @transform_1(%arg0: i32, %arg1: i32) -> (i32, i32, i32) {
    %c0_i32 = arith.constant 0 : i32
    %c0_i32_0 = arith.constant 0 : i32
    return %arg0, %arg1, %c0_i32 : i32, i32, i32
  }
  func.func @transform_2(%arg0: i32, %arg1: i32) -> (i32, i32) {
    %c0_i32 = arith.constant 0 : i32
    %c0_i32_0 = arith.constant 0 : i32
    %c0_i32_1 = arith.constant 0 : i32
    return %c0_i32, %c0_i32_0 : i32, i32
  }
  func.func @transform_3(%arg0: i32, %arg1: i32) -> (i32, i32) {
    %c0_i32 = arith.constant 0 : i32
    %c0_i32_0 = arith.constant 0 : i32
    %c0_i32_1 = arith.constant 0 : i32
    return %c0_i32, %c0_i32_0 : i32, i32
  }
  func.func @transform_4(%arg0: i32, %arg1: i32) -> (i32, i32) {
    %c0_i32 = arith.constant 0 : i32
    %c0_i32_0 = arith.constant 0 : i32
    %c0_i32_1 = arith.constant 0 : i32
    return %c0_i32, %c0_i32_0 : i32, i32
  }
  func.func @transform_5(%arg0: i32, %arg1: i32) -> (i32, i32) {
    %c0_i32 = arith.constant 0 : i32
    %c0_i32_0 = arith.constant 0 : i32
    %c0_i32_1 = arith.constant 0 : i32
    return %c0_i32, %c0_i32_0 : i32, i32
  }
  func.func @transform_6(%arg0: i32, %arg1: i32) -> (i32, i32) {
    %c0_i32 = arith.constant 0 : i32
    %c0_i32_0 = arith.constant 0 : i32
    %c0_i32_1 = arith.constant 0 : i32
    return %c0_i32, %c0_i32_0 : i32, i32
  }
  func.func @transform_7(%arg0: i32, %arg1: i32) -> (i32, i32) {
    %c0_i32 = arith.constant 0 : i32
    %c0_i32_0 = arith.constant 0 : i32
    %c0_i32_1 = arith.constant 0 : i32
    return %c0_i32, %c0_i32_0 : i32, i32
  }
  func.func @transform_8(%arg0: i32, %arg1: i32) -> (i32, i32, i32) {
    %c0_i32 = arith.constant 0 : i32
    %c0_i32_0 = arith.constant 0 : i32
    return %arg0, %arg1, %c0_i32 : i32, i32, i32
  }
}

</mosaic_0001>

<sc_bundles>
// kernel: kernel.6.cloned.1.call-start
scs
__scs_entry_jumppad:
0x0: {  	(pc) =	sbr.rel $0x88, $3  }
0x1: {  	(tag) =	ssettag $0x0;
	lr =	simm.s32 $0x1  }
0x2: {  	[smem:$0x3F98] =	sst lr;
	_ =	strace $0xD0000000  }
0x3: {  	_ = 	snop  }
0x4: {  	_ = 	snop  }
0x5: {  	_ = 	snop  }
0x6: {  	_ = 	snop  }
0x7: {  	_ = 	snop  }
__scs_overlays_trampoline_lowered:
0x8: {  	[smem:$0x3FA7] =	sst s0  }
0x9: {  	[smem:$0x3FA8] =	sst s1  }
0xa: {  	[smem:$0x3FA9] =	sst s2  }
0xb: {  	[smem:$0x3FAA] =	sst s3  }
0xc: {  	[smem:$0x3FAB] =	sst s4  }
0xd: {  	[smem:$0x3FAC] =	sst s5  }
0xe: {  	[smem:$0x3FAD] =	sst s6  }
0xf: {  	[smem:$0x3FAE] =	sst s7  }
0x10: {  	[smem:$0x3FAF] =	sst s8  }
0x11: {  	[smem:$0x3FB0] =	sst s9;
	s0 =	simm.s32 @!p0 $0x0  }
0x12: {  	s1 =	sld [smem:$0x3F96];
	s0 =	simm.s32 @p0 $0x1  }
0x13: {  	[smem:$0x3FB1] =	sst s0;
	s0 =	simm.s32 @!p1 $0x0  }
0x14: {  	s2 =	sld [smem:$0x3F95];
	s0 =	simm.s32 @p1 $0x1  }
0x15: {  	[smem:$0x3FB2] =	sst s0;
	s0 =	simm.s32 @!p2 $0x0  }
0x16: {  	s3 =	sld [smem:$0x3FDB];
	s0 =	simm.s32 @p2 $0x1  }
0x17: {  	s4 =	simm.s32 $0x1BF5;
	[smem:$0x3FB4] =	sst s0  }
0x18: {  	s0 =	sld [smem:$0x3F97];
	_ =	swait.ge [sflag:s4], $0x0  }
0x19: {  	s7 =	sld [smem:$0x3F98]  }
0x1a: {  	s8 =	sadd.s32 $0xFFFFE003, lr  }
0x1b: {  	s9 =	sadd.s32 $0xFFFFFEF7, lr;
	s5 =	simm.s32 $0xFFFFFFFF;
	p2 =	slt.u32 s8, $0xFFFFF086  }
0x1c: {  	p1 =	slt.u32 s9, $0xF7A;
	s5 =	simm.s32 @!p2 $0x0  }
0x1d: {  	s5 =	simm.s32 @p1 $0x1;
	p0 =	seq.s32 s7, s2  }
0x1e: {  	s7 =	smul.u32 @!p0 $0xF7A, s2;
	p2 =	seq.s32 @!p0 s5, $0x0  }
0x1f: {  	s9 =	smul.u32 $0xF7A, s1;
	s8 =	simm.s32 @!p0 $0x1BF5;
	p2 =	por !p2, p0  }
0x20: {  	[sflag:s8] =	ssyncset.s32 @!p0 $0xFFFFF086;
	s6 =	sadd.s32 @!p0 s3, s7;
	s7 =	simm.s32 @!p0 $0x108  }
0x21: {  	s3 =	sadd.s32 s3, s9;
	s6 =	sadd.s32 @!p0 $0x88, s6;
	s7 =	simm.s32 @p2 $0x1082  }
0x22: {  	[simem:s7], [sflag:s8] =	dma.local @!p0 [hbm:s6], $0xF7A  }
0x23: {  	s9 =	sor.u32 $0xD0000000, s2;
	s6 =	simm.s32 $0x108;
	_ =	swait.ge @!p0 [sflag:s8], $0x0  }
0x24: {  	s3 =	sadd.s32 $0x88, s3;
	s6 =	simm.s32 @!p1 $0x1082;
	[sflag:s4] =	ssyncset.s32 $0xFFFFF086  }
0x25: {  	[simem:s6], [sflag:s4] =	dma.local [hbm:s3], $0xF7A  }
0x26: {  	[smem:$0x3F98] =	sst s1;
	(tag) =	ssettag s2;
	_ =	strace s9  }
0x27: {  	s1 =	sld [smem:$0x3FA8]  }
0x28: {  	s2 =	sld [smem:$0x3FA9]  }
0x29: {  	s4 =	sld [smem:$0x3FAB]  }
0x2a: {  	p0 =	seq.s32 s5, $0x0;
	s5 =	sld [smem:$0x3FAC]  }
0x2b: {  	s6 =	sld [smem:$0x3FAD]  }
0x2c: {  	s7 =	sld [smem:$0x3FAE]  }
0x2d: {  	s3 =	simm.s32 $0x108;
	s8 =	sld [smem:$0x3FAF]  }
0x2e: {  	s3 =	simm.s32 @!p0 $0x1082;
	s9 =	sld [smem:$0x3FB0]  }
0x2f: {  	lr =	sadd.s32 s0, s3;
	s0 =	sld [smem:$0x3FA7]  }
0x30: {  	s3 =	sld [smem:$0x3FAA]  }
0x31: {  	[smem:$0x3FB3] =	sst s10  }
0x32: {  	s10 =	sld [smem:$0x3FB1];
	_ =	sdelay $0x3  }
0x33: {  	p0 =	seq.s32 s10, $0x1;
	s10 =	sld [smem:$0x3FB3];
	_ =	sdelay $0x3  }
0x34: {  	[smem:$0x3FB3] =	sst s10  }
0x35: {  	s10 =	sld [smem:$0x3FB2];
	_ =	sdelay $0x3  }
0x36: {  	p1 =	seq.s32 s10, $0x1;
	s10 =	sld [smem:$0x3FB3];
	_ =	sdelay $0x3  }
0x37: {  	[smem:$0x3FB3] =	sst s10  }
0x38: {  	s10 =	sld [smem:$0x3FB4]  }
0x39: {  	_ = 	snop;
	(pc) =	sbr.ind lr, $3  }
0x3a: {  	_ = 	snop  }
0x3b: {  	_ = 	snop  }
0x3c: {  	p2 =	seq.s32 s10, $0x1;
	s10 =	sld [smem:$0x3FB3]  }
0x3d: {  	_ =	shalt  }
0x3e: {  	_ =	shalt  }
0x3f: {  	_ =	shalt  }
0x40: {  	_ =	shalt  }
0x41: {  	_ =	shalt  }
0x42: {  	_ =	shalt  }
0x43: {  	_ =	shalt  }
0x44: {  	_ =	shalt  }
0x45: {  	_ =	shalt  }
0x46: {  	_ =	shalt  }
0x47: {  	_ =	shalt  }
0x48: {  	_ =	shalt  }
0x49: {  	_ =	shalt  }
0x4a: {  	_ =	shalt  }
0x4b: {  	_ =	shalt  }
0x4c: {  	_ =	shalt  }
0x4d: {  	_ =	shalt  }
0x4e: {  	_ =	shalt  }
0x4f: {  	_ =	shalt  }
0x50: {  	_ =	shalt  }
0x51: {  	_ =	shalt  }
0x52: {  	_ =	shalt  }
0x53: {  	_ =	shalt  }
0x54: {  	_ =	shalt  }
0x55: {  	_ =	shalt  }
0x56: {  	_ =	shalt  }
0x57: {  	_ =	shalt  }
0x58: {  	_ =	shalt  }
0x59: {  	_ =	shalt  }
0x5a: {  	_ =	shalt  }
0x5b: {  	_ =	shalt  }
0x5c: {  	_ =	shalt  }
0x5d: {  	_ =	shalt  }
0x5e: {  	_ =	shalt  }
0x5f: {  	_ =	shalt  }
0x60: {  	_ =	shalt  }
0x61: {  	_ =	shalt  }
0x62: {  	_ =	shalt  }
0x63: {  	_ =	shalt  }
0x64: {  	_ =	shalt  }
0x65: {  	_ =	shalt  }
0x66: {  	_ =	shalt  }
0x67: {  	_ =	shalt  }
0x68: {  	_ =	shalt  }
0x69: {  	_ =	shalt  }
0x6a: {  	_ =	shalt  }
0x6b: {  	_ =	shalt  }
0x6c: {  	_ =	shalt  }
0x6d: {  	_ =	shalt  }
0x6e: {  	_ =	shalt  }
0x6f: {  	_ =	shalt  }
0x70: {  	_ =	shalt  }
0x71: {  	_ =	shalt  }
0x72: {  	_ =	shalt  }
0x73: {  	_ =	shalt  }
0x74: {  	_ =	shalt  }
0x75: {  	_ =	shalt  }
0x76: {  	_ =	shalt  }
0x77: {  	_ =	shalt  }
0x78: {  	_ =	shalt  }
0x79: {  	_ =	shalt  }
0x7a: {  	_ =	shalt  }
0x7b: {  	_ =	shalt  }
0x7c: {  	_ =	shalt  }
0x7d: {  	_ =	shalt  }
0x7e: {  	_ =	shalt  }
0x7f: {  	_ =	shalt  }
0x80: {  	_ =	shalt  }
0x81: {  	_ =	shalt  }
0x82: {  	_ =	shalt  }
0x83: {  	_ =	shalt  }
0x84: {  	_ =	shalt  }
0x85: {  	_ =	shalt  }
0x86: {  	_ =	shalt  }
0x87: {  	_ =	shalt  }
.Lfunc_end0:
.L_simem_size_0:
called_computation_lowered:
.L_overlay_start_0:
0x88: {  	s2 =	sld [smem:$0x3FD9]  }
0x89: {  	s3 =	sld [smem:$0x3FFE];
	_ =	sdelay $0x1  }
0x8a: {  	s1 =	srdreg.scid  }
0x8b: {  	s0 =	sand.u32 $0x1, s1  }
0x8c: {  	s14 =	sshll.u32 s0, $0xA;
	s2 =	sadd.s32 s3, s2  }
0x8d: {  	s2 =	sadd.s32 s2, s14  }
0x8e: {  	[smem:$0x3FBF] =	sst s2  }
0x8f: {  	_ = 	snop  }
0x90: {  	s2 =	sld [smem:$0x3FD0];
	_ =	sdelay $0x2  }
0x91: {  	s15 =	simm.s32 $0xA;
	s4 =	simm.s32 $0x10  }
0x92: {  	[smem:s4], [sflag:s15] =	dma.local [hbm:s2], $0x1  }
0x93: {  	_ =	swait.eq [sflag:s15], $0x1  }
0x94: {  	[sflag:s15] =	ssyncset.done $0x0  }
0x95: {  	[sflag:s15] =	ssyncadd.s32 $0xFFFFFFFF  }
0x96: {  	s16 =	sld [smem:$0x11];
	(tm) =	ssettm $0x1  }
0x97: {  	s17 =	sld [smem:$0x3FFB];
	_ =	sdelay $0x3  }
0x98: {  	_ =	strace s17  }
0x99: {  	s3 =	sld [smem:$0x3FFC];
	_ =	sdelay $0x3  }
0x9a: {  	_ =	strace s3  }
0x9b: {  	s3 =	sld [smem:$0x3FFD];
	_ =	sdelay $0x3  }
0x9c: {  	_ =	strace s3  }
0x9d: {  	_ =	strace $0x8FFFFFFF  }
0x9e: {  	s18 =	sld [smem:$0x3FDB];
	_ =	sdelay $0x1  }
0x9f: {  	s19 =	simm.s32 $_scs_section_size  }
0xa0: {  	s5 =	simm.s32 $_size__tile_overlayer_lowered;
	s6 =	simm.s32 $_tile_overlayer_lowered  }
0xa1: {  	s22 =	simm.s32 $0x1BFF;
	s21 =	sshll.u32 s6, $0x1;
	s3 =	sadd.s32 s19, s18  }
0xa2: {  	s7 =	simm.s32 $0x0;
	s20 =	sshll.u32 s5, $0x1;
	s5 =	sadd.s32 s21, s3  }
0xa3: {  	[timem:s7], [sflag:s22] =	dma.local [hbm:s5], s20  }
0xa4: {  	_ =	swait.ge [sflag:s22], s20  }
0xa5: {  	s4 =	ssub.s32 $0x0, s20;
	[sflag:s22] =	ssyncset.done $0x0  }
0xa6: {  	[sflag:s22] =	ssyncadd.s32 s4;
	_ =	sdelay $0x1  }
0xa7: {  	s23 =	simm.s32 $0x1B8B  }
0xa8: {  	_ =	swait.ge [sflag:s23], $0x1  }
0xa9: {  	[sflag:s23] =	ssyncset.done $0x0  }
0xaa: {  	s25 =	simm.s32 $0x1B8E;
	s24 =	sld [smem:$0x3FFE];
	[sflag:s23] =	ssyncadd.s32 $0xFFFFFFFF  }
0xab: {  	s26 =	simm.s32 $execute0_lowered;
	[smem:$0x3FD2] =	sst s25  }
0xac: {  	s5 =	sshll.u32 s26, $0x1;
	_ =	strace $0x80000046;
	[dreg:$0x1] =	wrdreg $0xFFFFFFFF  }
0xad: {  	s28 =	simm.s32 $_size_execute0_lowered;
	s3 =	sadd.s32 s3, s5;
	[dreg:$0x0] =	wrdreg $0x0  }
0xae: {  	s5 =	sshll.u32 s28, $0x1;
	[dreg:$0x2] =	wrdreg s3  }
0xaf: {  	[dreg:$0x3] =	wrdreg s5  }
0xb0: {  	[dreg:$0x4] =	wrdreg $0xC0  }
0xb1: {  	_ =	task [dreg:s7], $0x5FFFF  }
0xb2: {  	[dreg:$0x1] =	wrdreg $0xFFFFFFFF  }
0xb3: {  	[dreg:$0x0] =	wrdreg $0x60  }
0xb4: {  	[dreg:$0x2] =	wrdreg s24  }
0xb5: {  	[dreg:$0x3] =	wrdreg s16  }
0xb6: {  	[dreg:$0x4] =	wrdreg $0x9  }
0xb7: {  	_ =	task.clear_ibuf [dreg:s7], $0x5FFFF;
	_ =	strace $0x90000046  }
0xb8: {  	s29 =	simm.s32 $0x9;
	_ =	strace $0x80000048  }
0xb9: {  	_ =	swait.ge [sflag:s29], $0x1  }
0xba: {  	[sflag:s29] =	ssyncadd.s32 $0xFFFFFFFF  }
0xbb: {  	_ =	strace $0x90000048  }
0xbc: {  	_ =	sfence  }
0xbd: {  	s30 =	sld [smem:$0x0];
	_ =	sdelay $0x2  }
0xbe: {  	s31 =	sshll.u32 s1, $0xD;
	s1 =	sshrl.u32 s1, $0x2  }
0xbf: {  	s3 =	sand.u32 $0x4000, s31;
	s1 =	sadd.s32 s1, s30  }
0xc0: {  	s0 =	sor.u32 s3, s0;
	s1 =	sshll.u32 s1, $0x11  }
0xc1: {  	s0 =	sor.u32 s1, s0  }
0xc2: {  	s0 =	sadd.s32 $0x8F2B, s0  }
0xc3: {  	[sflag:s0] =	ssyncadd.remote.s32 $0x1  }
0xc4: {  	_ =	sfence.sel $0xFFFF  }
0xc5: {  	[dreg:$0x0] =	wrdreg $0xFFFFFFFF;
	(pc) =	sbr.abs _section_cstart, $3  }
0xc6: {  	[dreg:$0x1] =	wrdreg $0xFFFFFFFF  }
0xc7: {  	_ =	task.clear_ibuf [dreg:s7], $0x2FFFF;
	_ =	strace $0x9FFFFFFF  }
0xc8: {  	(tm) =	ssettm $0x7FFFFFFF  }
0xc9: {  	_ =	shalt  }
tec
execute0_lowered:
.L_overlay_start_1:
0x0: {  	(tag) =	ssettag $0x1  }
0x1: {  	s0 =	rddreg [dreg:$0x0];
	s2 =	stileid.u32  }
0x2: {  	s3 =	rddreg [dreg:$0x1];
	s4 =	sshll.u32 s2, $0x1;
	s2 =	simm.s32 $0x0  }
0x3: {  	s9 =	simm.s32 $0x1800;
	[smem:$0x7FF] =	sst s2  }
0x4: {  	s10 =	simm.s32 $0x100;
	_ =	strace $0x80000047;
	[dreg:$0x5] =	wrdreg s9  }
0x5: {  	s11 =	simm.s32 $0x2000;
	[dreg:$0x6] =	wrdreg s10  }
0x6: {  	s12 =	simm.s32 $0x180;
	[dreg:$0x7] =	wrdreg s11  }
0x7: {  	s13 =	simm.s32 $0x2800;
	[dreg:$0x8] =	wrdreg s12  }
0x8: {  	s14 =	simm.s32 $0x200;
	[dreg:$0x9] =	wrdreg s13  }
0x9: {  	s15 =	simm.s32 $0x3000;
	[dreg:$0xa] =	wrdreg s14  }
0xa: {  	s16 =	simm.s32 $0x280;
	[dreg:$0xb] =	wrdreg s15  }
0xb: {  	s17 =	simm.s32 $0x3800;
	[dreg:$0xc] =	wrdreg s16  }
0xc: {  	s18 =	simm.s32 $0x300;
	[dreg:$0xd] =	wrdreg s17  }
0xd: {  	s19 =	simm.s32 $0x4000;
	[dreg:$0xe] =	wrdreg s18  }
0xe: {  	s20 =	simm.s32 $0x380;
	[dreg:$0xf] =	wrdreg s19  }
0xf: {  	s21 =	simm.s32 $0x4800;
	[dreg:$0x10] =	wrdreg s20  }
0x10: {  	s22 =	simm.s32 $0x400;
	[dreg:$0x11] =	wrdreg s21  }
0x11: {  	s23 =	simm.s32 $0x5000;
	[dreg:$0x12] =	wrdreg s22  }
0x12: {  	s24 =	simm.s32 $0x480;
	[dreg:$0x13] =	wrdreg s23  }
0x13: {  	s25 =	simm.s32 $0x5800;
	[dreg:$0x14] =	wrdreg s24  }
0x14: {  	s26 =	simm.s32 $0x500;
	[dreg:$0x15] =	wrdreg s25  }
0x15: {  	s6 =	simm.s32 $0x6800;
	[dreg:$0x16] =	wrdreg s26  }
0x16: {  	s7 =	simm.s32 $0x600;
	[dreg:$0x19] =	wrdreg s6  }
0x17: {  	[dreg:$0x1a] =	wrdreg s7;
	s9 =	simm.s32 $0x680  }
0x18: {  	s10 =	simm.s32 $0x7800;
	[dreg:$0x1c] =	wrdreg s9  }
0x19: {  	s11 =	simm.s32 $0x700;
	[dreg:$0x1d] =	wrdreg s10  }
0x1a: {  	s12 =	simm.s32 $0x8000;
	[dreg:$0x1e] =	wrdreg s11  }
0x1b: {  	s13 =	simm.s32 $0x780;
	[dreg:$0x1f] =	wrdreg s12  }
0x1c: {  	s14 =	simm.s32 $0x8800;
	[smem:$0x7F8] =	sst s13  }
0x1d: {  	s15 =	simm.s32 $0x800;
	[smem:$0x7F7] =	sst s14  }
0x1e: {  	s16 =	simm.s32 $0x9000;
	[smem:$0x7F9] =	sst s15  }
0x1f: {  	s17 =	simm.s32 $0x880;
	[smem:$0x7F6] =	sst s16  }
0x20: {  	s18 =	simm.s32 $0x9800;
	[smem:$0x7FA] =	sst s17  }
0x21: {  	s1 =	srdreg.scid;
	s19 =	simm.s32 $0x900;
	[smem:$0x7F5] =	sst s18  }
0x22: {  	s1 =	sand.u32 $0x1, s1;
	s20 =	simm.s32 $0xA000;
	[smem:$0x7FB] =	sst s19  }
0x23: {  	s4 =	sor.u32 s1, s4;
	s21 =	simm.s32 $0x980;
	[smem:$0x7F4] =	sst s20  }
0x24: {  	s5 =	sshll.u32 s4, $0xD;
	s22 =	simm.s32 $0xA800;
	[smem:$0x7FC] =	sst s21  }
0x25: {  	s4 =	sshll.u32 s4, $0x9;
	s24 =	simm.s32 $0xA00;
	[smem:$0x7F3] =	sst s22  }
0x26: {  	s3 =	sadd.s32 s3, s4;
	[smem:$0x7FD] =	sst s24  }
0x27: {  	s5 =	sadd.s32 s5, s0;
	s4 =	simm.s32 $0x6000;
	[dreg:$0x3] =	wrdreg s3  }
0x28: {  	s8 =	sadd.s32 $0x11E00, s5;
	[dreg:$0x17] =	wrdreg s4  }
0x29: {  	s5 =	simm.s32 $0x580;
	[dreg:$0x4] =	wrdreg s8  }
0x2a: {  	[dreg:$0x18] =	wrdreg s5  }
0x2b: {  	s8 =	simm.s32 $0x7000;
	s23 =	rddreg [dreg:$0x3]  }
0x2c: {  	s3 =	simm.s32 $0x2;
	[dreg:$0x1b] =	wrdreg s8  }
0x2d: {  	[tilespmem:s2], [sflag:$0x2] =	stream.linear.gather [hbm4b:s23+s2], $0x1000, $0x38;
	[tilespmem:$0x11000] =	vst v63  }
0x2e: {  	_ =	swait.ge [sflag:s3], $0x1000  }
0x2f: {  	s7 =	sld [smem:$0x7F3]  }
0x30: {  	s8 =	sld [smem:$0x7F4]  }
0x31: {  	s9 =	sld [smem:$0x7F5]  }
0x32: {  	s10 =	sld [smem:$0x7F6]  }
0x33: {  	s11 =	sld [smem:$0x7F7]  }
0x34: {  	s12 =	rddreg [dreg:$0x1f]  }
0x35: {  	s13 =	rddreg [dreg:$0x1d]  }
0x36: {  	s14 =	rddreg [dreg:$0x1b]  }
0x37: {  	s15 =	rddreg [dreg:$0x19]  }
0x38: {  	s16 =	rddreg [dreg:$0x17]  }
0x39: {  	s17 =	rddreg [dreg:$0x15]  }
0x3a: {  	s18 =	rddreg [dreg:$0x13]  }
0x3b: {  	s19 =	rddreg [dreg:$0x11]  }
0x3c: {  	s20 =	rddreg [dreg:$0xf]  }
0x3d: {  	s25 =	rddreg [dreg:$0x6]  }
0x3e: {  	s21 =	rddreg [dreg:$0x5]  }
0x3f: {  	s6 =	simm.s32 $0x80;
	s22 =	rddreg [dreg:$0x7]  }
0x40: {  	s4 =	sadd.s32 $0x1E00, s0;
	[sflag:s3] =	ssyncset.done $0x0;
	s23 =	rddreg [dreg:$0x9]  }
0x41: {  	s5 =	simm.s32 $0x1000;
	s26 =	rddreg [dreg:$0x8];
	[sflag:s3] =	ssyncadd.s32 $0xFFFFF000  }
0x42: {  	[tilespmem:s5], [sflag:$0x1] =	stream.indirect.gather [hbm4b:s4+s6], $0x10, s2, s6, $0xb8;
	[tilespmem:$0x11000] =	vst v63  }
0x43: {  	s24 =	rddreg [dreg:$0xa]  }
0x44: {  	[tilespmem:s21], [sflag:$0x1] =	stream.indirect.gather [hbm4b:s4+s6], $0x10, s6, s6, $0xb8;
	[tilespmem:$0x11000] =	vst v63  }
0x45: {  	s21 =	rddreg [dreg:$0x1e]  }
0x46: {  	[tilespmem:s22], [sflag:$0x1] =	stream.indirect.gather [hbm4b:s4+s6], $0x10, s25, s6, $0xb8;
	[tilespmem:$0x11000] =	vst v63  }
0x47: {  	s22 =	rddreg [dreg:$0xb]  }
0x48: {  	[tilespmem:s23], [sflag:$0x1] =	stream.indirect.gather [hbm4b:s4+s6], $0x10, s26, s6, $0xb8;
	[tilespmem:$0x11000] =	vst v63  }
0x49: {  	s25 =	rddreg [dreg:$0xd]  }
0x4a: {  	[tilespmem:s22], [sflag:$0x1] =	stream.indirect.gather [hbm4b:s4+s6], $0x10, s24, s6, $0xb8;
	[tilespmem:$0x11000] =	vst v63  }
0x4b: {  	s26 =	rddreg [dreg:$0xc]  }
0x4c: {  	[tilespmem:s25], [sflag:$0x1] =	stream.indirect.gather [hbm4b:s4+s6], $0x10, s26, s6, $0xb8;
	[tilespmem:$0x11000] =	vst v63  }
0x4d: {  	s22 =	rddreg [dreg:$0xe]  }
0x4e: {  	[tilespmem:s20], [sflag:$0x1] =	stream.indirect.gather [hbm4b:s4+s6], $0x10, s22, s6, $0xb8;
	[tilespmem:$0x11000] =	vst v63  }
0x4f: {  	s23 =	rddreg [dreg:$0x10]  }
0x50: {  	[tilespmem:s19], [sflag:$0x1] =	stream.indirect.gather [hbm4b:s4+s6], $0x10, s23, s6, $0xb8;
	[tilespmem:$0x11000] =	vst v63  }
0x51: {  	s24 =	rddreg [dreg:$0x12]  }
0x52: {  	[tilespmem:s18], [sflag:$0x1] =	stream.indirect.gather [hbm4b:s4+s6], $0x10, s24, s6, $0xb8;
	[tilespmem:$0x11000] =	vst v63  }
0x53: {  	s25 =	rddreg [dreg:$0x14]  }
0x54: {  	[tilespmem:s17], [sflag:$0x1] =	stream.indirect.gather [hbm4b:s4+s6], $0x10, s25, s6, $0xb8;
	[tilespmem:$0x11000] =	vst v63  }
0x55: {  	s26 =	rddreg [dreg:$0x16]  }
0x56: {  	[tilespmem:s16], [sflag:$0x1] =	stream.indirect.gather [hbm4b:s4+s6], $0x10, s26, s6, $0xb8;
	[tilespmem:$0x11000] =	vst v63  }
0x57: {  	s18 =	rddreg [dreg:$0x18]  }
0x58: {  	[tilespmem:s15], [sflag:$0x1] =	stream.indirect.gather [hbm4b:s4+s6], $0x10, s18, s6, $0xb8;
	[tilespmem:$0x11000] =	vst v63  }
0x59: {  	s19 =	rddreg [dreg:$0x1a]  }
0x5a: {  	[tilespmem:s14], [sflag:$0x1] =	stream.indirect.gather [hbm4b:s4+s6], $0x10, s19, s6, $0xb8;
	[tilespmem:$0x11000] =	vst v63  }
0x5b: {  	s20 =	rddreg [dreg:$0x1c]  }
0x5c: {  	[tilespmem:s13], [sflag:$0x1] =	stream.indirect.gather [hbm4b:s4+s6], $0x10, s20, s6, $0xb8;
	[tilespmem:$0x11000] =	vst v63  }
0x5d: {  	s22 =	sld [smem:$0x7F8]  }
0x5e: {  	[tilespmem:s12], [sflag:$0x1] =	stream.indirect.gather [hbm4b:s4+s6], $0x10, s21, s6, $0xb8;
	[tilespmem:$0x11000] =	vst v63  }
0x5f: {  	s24 =	sld [smem:$0x7F9]  }
0x60: {  	[tilespmem:s11], [sflag:$0x1] =	stream.indirect.gather [hbm4b:s4+s6], $0x10, s22, s6, $0xb8;
	[tilespmem:$0x11000] =	vst v63  }
0x61: {  	s26 =	sld [smem:$0x7FA]  }
0x62: {  	[tilespmem:s10], [sflag:$0x1] =	stream.indirect.gather [hbm4b:s4+s6], $0x10, s24, s6, $0xb8;
	[tilespmem:$0x11000] =	vst v63  }
0x63: {  	s13 =	sld [smem:$0x7FB]  }
0x64: {  	[tilespmem:s9], [sflag:$0x1] =	stream.indirect.gather [hbm4b:s4+s6], $0x10, s26, s6, $0xb8;
	[tilespmem:$0x11000] =	vst v63  }
0x65: {  	s14 =	sld [smem:$0x7FC]  }
0x66: {  	[tilespmem:s8], [sflag:$0x1] =	stream.indirect.gather [hbm4b:s4+s6], $0x10, s13, s6, $0xb8;
	[tilespmem:$0x11000] =	vst v63  }
0x67: {  	s28 =	simm.s32 $0xC80;
	s23 =	ssub.s32 $0x2, s1;
	s17 =	sld [smem:$0x7FD]  }
0x68: {  	[tilespmem:s7], [sflag:$0x1] =	stream.indirect.gather [hbm4b:s4+s6], $0x10, s14, s6, $0xb8;
	[tilespmem:$0x11000] =	vst v63  }
0x69: {  	s29 =	simm.s32 $0xD800;
	s25 =	sshrl.u32 s23, $0x1;
	s15 =	simm.s32 $0xB000  }
0x6a: {  	[tilespmem:s15], [sflag:$0x1] =	stream.indirect.gather [hbm4b:s4+s6], $0x10, s17, s6, $0xb8;
	[tilespmem:$0x11000] =	vst v63  }
0x6b: {  	s0 =	ssub.s32 s23, s25;
	s16 =	simm.s32 $0xA80;
	s18 =	simm.s32 $0xB800  }
0x6c: {  	[tilespmem:s18], [sflag:$0x1] =	stream.indirect.gather [hbm4b:s4+s6], $0x10, s16, s6, $0xb8;
	[tilespmem:$0x11000] =	vst v63  }
0x6d: {  	s0 =	smax.u32 s0, $0x1;
	s19 =	simm.s32 $0xB00;
	s20 =	simm.s32 $0xC000  }
0x6e: {  	[tilespmem:s20], [sflag:$0x1] =	stream.indirect.gather [hbm4b:s4+s6], $0x10, s19, s6, $0xb8;
	[tilespmem:$0x11000] =	vst v63  }
0x6f: {  	p0 =	sne.s32 s0, $0x1;
	s21 =	simm.s32 $0xB80;
	s22 =	simm.s32 $0xC800  }
0x70: {  	[tilespmem:s22], [sflag:$0x1] =	stream.indirect.gather [hbm4b:s4+s6], $0x10, s21, s6, $0xb8;
	[tilespmem:$0x11000] =	vst v63  }
.Ltmp0:
0x71: {  	s23 =	simm.s32 $0xC00;
	s24 =	simm.s32 $0xD000;
	(pc) =	sbr.rel @!p0 .LBB2_2-.Ltmp0, $4  }
0x72: {  	[tilespmem:s24], [sflag:$0x1] =	stream.indirect.gather [hbm4b:s4+s6], $0x10, s23, s6, $0xb8;
	[tilespmem:$0x11000] =	vst v63  }
0x73: {  	s30 =	simm.s32 $0xF80;
	s25 =	simm.s32 $0xC80;
	s26 =	simm.s32 $0xD800  }
0x74: {  	[tilespmem:s26], [sflag:$0x1] =	stream.indirect.gather [hbm4b:s4+s6], $0x10, s25, s6, $0xb8;
	[tilespmem:$0x11000] =	vst v63  }
0x75: {  	s31 =	simm.s32 $0x10800;
	s1 =	sadd.s32 $0xFFFFFFFF, s0;
	s25 =	simm.s32 $0x1  }
.LBB2_1:
0x76: {  	s0 =	simm.s32 $0xD00;
	s7 =	simm.s32 $0xE000  }
0x77: {  	[tilespmem:s7], [sflag:$0x1] =	stream.indirect.gather [hbm4b:s4+s6], $0x10, s0, s6, $0xb8;
	[tilespmem:$0x11000] =	vst v63  }
0x78: {  	s14 =	simm.s32 $0xD80;
	s15 =	simm.s32 $0xE800  }
0x79: {  	[tilespmem:s15], [sflag:$0x1] =	stream.indirect.gather [hbm4b:s4+s6], $0x10, s14, s6, $0xb8;
	[tilespmem:$0x11000] =	vst v63  }
0x7a: {  	s16 =	simm.s32 $0xE00;
	s17 =	simm.s32 $0xF000  }
0x7b: {  	[tilespmem:s17], [sflag:$0x1] =	stream.indirect.gather [hbm4b:s4+s6], $0x10, s16, s6, $0xb8;
	[tilespmem:$0x11000] =	vst v63  }
0x7c: {  	s18 =	simm.s32 $0xE80;
	s19 =	simm.s32 $0xF800  }
0x7d: {  	[tilespmem:s19], [sflag:$0x1] =	stream.indirect.gather [hbm4b:s4+s6], $0x10, s18, s6, $0xb8;
	[tilespmem:$0x11000] =	vst v63  }
0x7e: {  	s20 =	simm.s32 $0xF00;
	s21 =	simm.s32 $0x10000  }
0x7f: {  	[tilespmem:s21], [sflag:$0x1] =	stream.indirect.gather [hbm4b:s4+s6], $0x10, s20, s6, $0xb8;
	[tilespmem:$0x11000] =	vst v63  }
0x80: {  	_ = 	snop  }
0x81: {  	[tilespmem:s31], [sflag:$0x1] =	stream.indirect.gather [hbm4b:s4+s6], $0x10, s30, s6, $0xb8;
	[tilespmem:$0x11000] =	vst v63  }
0x82: {  	_ =	swait.ge [sflag:s25], $0x10000  }
0x83: {  	[sflag:s25] =	ssyncset.done $0x0  }
0x84: {  	s22 =	rddreg [dreg:$0x4];
	[sflag:s25] =	ssyncadd.s32 $0xFFFF0000  }
0x85: {  	[hbm4b:s22+s2] =	stream.linear.scatter [tilespmem:s5], [sflag:$0x2], $0x10000, $0x38;
	[tilespmem:$0x11000] =	vst v63  }
0x86: {  	_ =	swait.ge [sflag:s3], $0x10000  }
0x87: {  	[sflag:s3] =	ssyncset.done $0x0  }
0x88: {  	s23 =	rddreg [dreg:$0x3];
	[sflag:s3] =	ssyncadd.s32 $0xFFFF0000  }
0x89: {  	[tilespmem:s2], [sflag:$0x2] =	stream.linear.gather [hbm4b:s23+s2], $0x1000, $0x38;
	[tilespmem:$0x11000] =	vst v63  }
0x8a: {  	_ =	swait.ge [sflag:s3], $0x1000  }
0x8b: {  	s0 =	sld [smem:$0x7F3]  }
0x8c: {  	s7 =	sld [smem:$0x7F4]  }
0x8d: {  	s8 =	sld [smem:$0x7F5]  }
0x8e: {  	s9 =	sld [smem:$0x7F6]  }
0x8f: {  	s10 =	sld [smem:$0x7F7]  }
0x90: {  	s11 =	rddreg [dreg:$0x1f]  }
0x91: {  	s12 =	rddreg [dreg:$0x1d]  }
0x92: {  	s13 =	rddreg [dreg:$0x1b]  }
0x93: {  	s14 =	rddreg [dreg:$0x19]  }
0x94: {  	s15 =	rddreg [dreg:$0x17]  }
0x95: {  	s16 =	rddreg [dreg:$0x15]  }
0x96: {  	s17 =	rddreg [dreg:$0x13]  }
0x97: {  	s18 =	rddreg [dreg:$0x11]  }
0x98: {  	s19 =	rddreg [dreg:$0xf]  }
0x99: {  	s20 =	rddreg [dreg:$0xd]  }
0x9a: {  	s21 =	rddreg [dreg:$0xb]  }
0x9b: {  	s22 =	rddreg [dreg:$0x6]  }
0x9c: {  	[sflag:s3] =	ssyncset.done $0x0;
	s23 =	rddreg [dreg:$0x5]  }
0x9d: {  	s24 =	rddreg [dreg:$0x7];
	[sflag:s3] =	ssyncadd.s32 $0xFFFFF000  }
0x9e: {  	[tilespmem:s5], [sflag:$0x1] =	stream.indirect.gather [hbm4b:s4+s6], $0x10, s2, s6, $0xb8;
	[tilespmem:$0x11000] =	vst v63  }
0x9f: {  	s26 =	rddreg [dreg:$0x9]  }
0xa0: {  	[tilespmem:s23], [sflag:$0x1] =	stream.indirect.gather [hbm4b:s4+s6], $0x10, s6, s6, $0xb8;
	[tilespmem:$0x11000] =	vst v63  }
0xa1: {  	s23 =	rddreg [dreg:$0x8]  }
0xa2: {  	[tilespmem:s24], [sflag:$0x1] =	stream.indirect.gather [hbm4b:s4+s6], $0x10, s22, s6, $0xb8;
	[tilespmem:$0x11000] =	vst v63  }
0xa3: {  	s24 =	rddreg [dreg:$0xa]  }
0xa4: {  	[tilespmem:s26], [sflag:$0x1] =	stream.indirect.gather [hbm4b:s4+s6], $0x10, s23, s6, $0xb8;
	[tilespmem:$0x11000] =	vst v63  }
0xa5: {  	s22 =	rddreg [dreg:$0xe]  }
0xa6: {  	[tilespmem:s21], [sflag:$0x1] =	stream.indirect.gather [hbm4b:s4+s6], $0x10, s24, s6, $0xb8;
	[tilespmem:$0x11000] =	vst v63  }
0xa7: {  	s26 =	rddreg [dreg:$0xc]  }
0xa8: {  	[tilespmem:s20], [sflag:$0x1] =	stream.indirect.gather [hbm4b:s4+s6], $0x10, s26, s6, $0xb8;
	[tilespmem:$0x11000] =	vst v63  }
0xa9: {  	s23 =	rddreg [dreg:$0x10]  }
0xaa: {  	[tilespmem:s19], [sflag:$0x1] =	stream.indirect.gather [hbm4b:s4+s6], $0x10, s22, s6, $0xb8;
	[tilespmem:$0x11000] =	vst v63  }
0xab: {  	s24 =	rddreg [dreg:$0x12]  }
0xac: {  	[tilespmem:s18], [sflag:$0x1] =	stream.indirect.gather [hbm4b:s4+s6], $0x10, s23, s6, $0xb8;
	[tilespmem:$0x11000] =	vst v63  }
0xad: {  	s21 =	rddreg [dreg:$0x1a]  }
0xae: {  	[tilespmem:s17], [sflag:$0x1] =	stream.indirect.gather [hbm4b:s4+s6], $0x10, s24, s6, $0xb8;
	[tilespmem:$0x11000] =	vst v63  }
0xaf: {  	s26 =	rddreg [dreg:$0x14]  }
0xb0: {  	[tilespmem:s16], [sflag:$0x1] =	stream.indirect.gather [hbm4b:s4+s6], $0x10, s26, s6, $0xb8;
	[tilespmem:$0x11000] =	vst v63  }
0xb1: {  	s19 =	rddreg [dreg:$0x16]  }
0xb2: {  	[tilespmem:s15], [sflag:$0x1] =	stream.indirect.gather [hbm4b:s4+s6], $0x10, s19, s6, $0xb8;
	[tilespmem:$0x11000] =	vst v63  }
0xb3: {  	s20 =	rddreg [dreg:$0x18]  }
0xb4: {  	[tilespmem:s14], [sflag:$0x1] =	stream.indirect.gather [hbm4b:s4+s6], $0x10, s20, s6, $0xb8;
	[tilespmem:$0x11000] =	vst v63  }
0xb5: {  	s22 =	rddreg [dreg:$0x1c]  }
0xb6: {  	[tilespmem:s13], [sflag:$0x1] =	stream.indirect.gather [hbm4b:s4+s6], $0x10, s21, s6, $0xb8;
	[tilespmem:$0x11000] =	vst v63  }
0xb7: {  	s23 =	rddreg [dreg:$0x1e]  }
0xb8: {  	[tilespmem:s12], [sflag:$0x1] =	stream.indirect.gather [hbm4b:s4+s6], $0x10, s22, s6, $0xb8;
	[tilespmem:$0x11000] =	vst v63  }
0xb9: {  	s24 =	sld [smem:$0x7F8]  }
0xba: {  	[tilespmem:s11], [sflag:$0x1] =	stream.indirect.gather [hbm4b:s4+s6], $0x10, s23, s6, $0xb8;
	[tilespmem:$0x11000] =	vst v63  }
0xbb: {  	s26 =	sld [smem:$0x7F9]  }
0xbc: {  	[tilespmem:s10], [sflag:$0x1] =	stream.indirect.gather [hbm4b:s4+s6], $0x10, s24, s6, $0xb8;
	[tilespmem:$0x11000] =	vst v63  }
0xbd: {  	s13 =	sld [smem:$0x7FA]  }
0xbe: {  	[tilespmem:s9], [sflag:$0x1] =	stream.indirect.gather [hbm4b:s4+s6], $0x10, s26, s6, $0xb8;
	[tilespmem:$0x11000] =	vst v63  }
0xbf: {  	s14 =	sld [smem:$0x7FB]  }
0xc0: {  	[tilespmem:s8], [sflag:$0x1] =	stream.indirect.gather [hbm4b:s4+s6], $0x10, s13, s6, $0xb8;
	[tilespmem:$0x11000] =	vst v63  }
0xc1: {  	s15 =	sld [smem:$0x7FC]  }
0xc2: {  	[tilespmem:s7], [sflag:$0x1] =	stream.indirect.gather [hbm4b:s4+s6], $0x10, s14, s6, $0xb8;
	[tilespmem:$0x11000] =	vst v63  }
0xc3: {  	s16 =	sld [smem:$0x7FD]  }
0xc4: {  	[tilespmem:s0], [sflag:$0x1] =	stream.indirect.gather [hbm4b:s4+s6], $0x10, s15, s6, $0xb8;
	[tilespmem:$0x11000] =	vst v63  }
0xc5: {  	s17 =	simm.s32 $0xB000  }
0xc6: {  	[tilespmem:s17], [sflag:$0x1] =	stream.indirect.gather [hbm4b:s4+s6], $0x10, s16, s6, $0xb8;
	[tilespmem:$0x11000] =	vst v63  }
0xc7: {  	s18 =	simm.s32 $0xA80;
	s19 =	simm.s32 $0xB800  }
0xc8: {  	[tilespmem:s19], [sflag:$0x1] =	stream.indirect.gather [hbm4b:s4+s6], $0x10, s18, s6, $0xb8;
	[tilespmem:$0x11000] =	vst v63  }
0xc9: {  	s20 =	simm.s32 $0xB00;
	s21 =	simm.s32 $0xC000  }
0xca: {  	[tilespmem:s21], [sflag:$0x1] =	stream.indirect.gather [hbm4b:s4+s6], $0x10, s20, s6, $0xb8;
	[tilespmem:$0x11000] =	vst v63  }
0xcb: {  	p0 =	sne.s32 s1, $0x1;
	s22 =	simm.s32 $0xB80;
	s23 =	simm.s32 $0xC800  }
0xcc: {  	[tilespmem:s23], [sflag:$0x1] =	stream.indirect.gather [hbm4b:s4+s6], $0x10, s22, s6, $0xb8;
	[tilespmem:$0x11000] =	vst v63  }
.Ltmp1:
0xcd: {  	_ = 	snop;
	(pc) =	sbr.rel @p0 .LBB2_1-.Ltmp1, $4  }
0xce: {  	s24 =	simm.s32 $0xC00;
	s26 =	simm.s32 $0xD000  }
0xcf: {  	[tilespmem:s26], [sflag:$0x1] =	stream.indirect.gather [hbm4b:s4+s6], $0x10, s24, s6, $0xb8;
	[tilespmem:$0x11000] =	vst v63  }
0xd0: {  	s1 =	sadd.s32 $0xFFFFFFFF, s1  }
0xd1: {  	[tilespmem:s29], [sflag:$0x1] =	stream.indirect.gather [hbm4b:s4+s6], $0x10, s28, s6, $0xb8;
	[tilespmem:$0x11000] =	vst v63  }
.LBB2_2:
0xd2: {  	s0 =	simm.s32 $0xD00;
	s1 =	simm.s32 $0xE000  }
0xd3: {  	[tilespmem:s1], [sflag:$0x1] =	stream.indirect.gather [hbm4b:s4+s6], $0x10, s0, s6, $0xb8;
	[tilespmem:$0x11000] =	vst v63  }
0xd4: {  	s20 =	simm.s32 $0xD80;
	s21 =	simm.s32 $0xE800  }
0xd5: {  	[tilespmem:s21], [sflag:$0x1] =	stream.indirect.gather [hbm4b:s4+s6], $0x10, s20, s6, $0xb8;
	[tilespmem:$0x11000] =	vst v63  }
0xd6: {  	s22 =	simm.s32 $0xE00;
	s23 =	simm.s32 $0xF000  }
0xd7: {  	[tilespmem:s23], [sflag:$0x1] =	stream.indirect.gather [hbm4b:s4+s6], $0x10, s22, s6, $0xb8;
	[tilespmem:$0x11000] =	vst v63  }
0xd8: {  	s24 =	simm.s32 $0xE80;
	s26 =	simm.s32 $0xF800  }
0xd9: {  	[tilespmem:s26], [sflag:$0x1] =	stream.indirect.gather [hbm4b:s4+s6], $0x10, s24, s6, $0xb8;
	[tilespmem:$0x11000] =	vst v63  }
0xda: {  	s28 =	simm.s32 $0xF00;
	s29 =	simm.s32 $0x10000  }
0xdb: {  	[tilespmem:s29], [sflag:$0x1] =	stream.indirect.gather [hbm4b:s4+s6], $0x10, s28, s6, $0xb8;
	[tilespmem:$0x11000] =	vst v63  }
0xdc: {  	_ = 	snop  }
0xdd: {  	[tilespmem:s31], [sflag:$0x1] =	stream.indirect.gather [hbm4b:s4+s6], $0x10, s30, s6, $0xb8;
	[tilespmem:$0x11000] =	vst v63  }
0xde: {  	_ =	swait.ge [sflag:s25], $0x10000  }
0xdf: {  	[sflag:s25] =	ssyncset.done $0x0  }
0xe0: {  	s30 =	rddreg [dreg:$0x4];
	[sflag:s25] =	ssyncadd.s32 $0xFFFF0000  }
0xe1: {  	[hbm4b:s30+s2] =	stream.linear.scatter [tilespmem:s5], [sflag:$0x2], $0x10000, $0x38;
	[tilespmem:$0x11000] =	vst v63  }
0xe2: {  	_ =	swait.ge [sflag:s3], $0x10000  }
0xe3: {  	[sflag:s3] =	ssyncset.done $0x0  }
0xe4: {  	[sflag:s3] =	ssyncadd.s32 $0xFFFF0000  }
0xe5: {  	_ =	sfence.sel $0x180000  }
0xe6: {  	[bflag:$0x0] =	sbarrier.arrive $0xFFFF  }
0xe7: {  	_ =	strace $0x90000047  }
0xe8: {  	s31 =	stileid.u32;
	[bflag:$0x2] =	sbarrier.arrive $0xFFFF  }
0xe9: {  	p0 =	sne.s32 s31, $0x0;
	s0 =	rddreg [dreg:$0x2]  }
0xea: {  	s0 =	sadd.s32 @!p0 $0x100000, s0  }
0xeb: {  	[sflag:s0] =	ssyncadd.tile.s32 @!p0 $0x1;
	_ =	shalt  }
.Lfunc_end2:
_tile_overlayer_lowered:
.L_overlay_start_2:
0xec: {  	(tag) =	ssettag $0x2  }
0xed: {  	s0 =	rddreg [dreg:$0x0];
	s2 =	stileid.u32  }
0xee: {  	s1 =	rddreg [dreg:$0x1];
	p0 =	sne.s32 s2, $0x0  }
0xef: {  	s3 =	rddreg [dreg:$0x2];
	[bflag:$0x3] =	sbarrier.arrive $0xFFFF;
	s2 =	simm.s32 @!p0 $0x1C02  }
0xf0: {  	[timem:s3], [sflag:s2] =	dma.local @!p0 [hbm:s0], s1  }
0xf1: {  	s0 =	simm.s32 @!p0 $0x2  }
0xf2: {  	_ =	swait.ge @!p0 [sflag:s0], s1  }
0xf3: {  	s1 =	ssub.s32 @!p0 $0x0, s1;
	[sflag:s0] =	ssyncset.done @!p0 $0x0  }
0xf4: {  	[sflag:s0] =	ssyncadd.s32 @!p0 s1  }
0xf5: {  	[bflag:$0x3] =	sbarrier.arrive $0xFFFF  }
0xf6: {  	_ =	shalt  }

</sc_bundles>
